<compile_context>
chip_gen: v7x
topology: tpu7x:2x2x1
jax: 0.10.2.dev20260603
libtpu: 0.0.44.dev20260713+nightly
codegen_flags: <defaults>
</compile_context>

<pallas_src>
import functools

import jax
import jax.numpy as jnp
from jax import lax
from jax.experimental import pallas as pl
from jax.experimental.pallas import tpu as pltpu
from jax.experimental.pallas import tpu_sc as plsc

DIM = 64
SEQ = 200
NUM_CLASSES = 128
NC = 2
NS = 16
NW = NC * NS

_C0, _C1 = 104, 96
NBUF = 4

_DCOL = 16384
_DROW = _DCOL // 2


def _detile_body(x_ref, eye_ref, o_ref):
  x = x_ref[:].astype(jnp.bfloat16)
  eye = eye_ref[:]
  o_ref[:, 0:DIM] = lax.dot_general(
      x[:, 0:_DROW], eye, (((0,), (0,)), ((), ())),
      preferred_element_type=jnp.float32)
  o_ref[:, DIM:2 * DIM] = lax.dot_general(
      x[:, _DROW:_DCOL], eye, (((0,), (0,)), ((), ())),
      preferred_element_type=jnp.float32)


def _detile(table):
  vocab = table.shape[0]
  grid = (vocab + _DCOL - 1) // _DCOL
  return pl.pallas_call(
      _detile_body,
      grid=(grid,),
      in_specs=[
          pl.BlockSpec((DIM, _DCOL), lambda i: (0, i)),
          pl.BlockSpec((DIM, DIM), lambda i: (0, 0)),
      ],
      out_specs=pl.BlockSpec((_DROW, 2 * DIM), lambda i: (i, 0)),
      out_shape=jax.ShapeDtypeStruct((grid * _DROW, 2 * DIM), jnp.float32),
  )(table.T, jnp.eye(DIM, dtype=jnp.bfloat16))


def _pool_body(ids_hbm, table_hbm, out_hbm, idx_v, rows_v, out_v, *sems):
  batch = out_hbm.shape[0]
  bpw = batch // NW
  wid = lax.axis_index("s") * NC + lax.axis_index("c")
  base = wid * bpw

  pltpu.sync_copy(ids_hbm.at[pl.ds(base, bpw)], idx_v)

  def start_row(i, b):
    pltpu.make_async_copy(
        table_hbm.at[idx_v.at[i, pl.ds(0, _C0)]],
        rows_v.at[b, pl.ds(0, _C0)], sems[b]).start()
    pltpu.make_async_copy(
        table_hbm.at[idx_v.at[i, pl.ds(_C0, _C1)]],
        rows_v.at[b, pl.ds(_C0, _C1)], sems[b]).start()

  def wait_row(b):
    pltpu.make_async_copy(table_hbm.at[pl.ds(0, SEQ)],
                          rows_v.at[b], sems[b]).wait()

  def accum_row(i, b):
    def jbody(jj, carry):
      a = list(carry)
      j = jj * 4
      for u in range(4):
        for k in range(4):
          a[k] = a[k] + rows_v[b, j + u, pl.ds(16 * k, 16)]
      return tuple(a)
    acc = lax.fori_loop(
        0, SEQ // 4, jbody,
        tuple(jnp.zeros((16,), jnp.float32) for _ in range(4)))
    for k in range(4):
      out_v[i, pl.ds(16 * k, 16)] = acc[k]

  for b in range(NBUF):
    start_row(b, b)

  def gbody(t, _):
    for b in range(NBUF):
      i = t * NBUF + b
      wait_row(b)
      accum_row(i, b)
      start_row(i + NBUF, b)
    return 0

  lax.fori_loop(0, (bpw - NBUF) // NBUF, gbody, 0)
  for b in range(NBUF):
    wait_row(b)
    accum_row(bpw - NBUF + b, b)

  pltpu.sync_copy(out_v, out_hbm.at[pl.ds(base, bpw)])


def _pool(ids_mapped, table_flat):
  batch = ids_mapped.shape[0]
  bpw = batch // NW
  mesh = plsc.VectorSubcoreMesh(core_axis_name="c", subcore_axis_name="s")
  k = functools.partial(
      pl.kernel,
      out_type=jax.ShapeDtypeStruct((batch, DIM), jnp.float32),
      mesh=mesh,
      scratch_types=[
          pltpu.VMEM((bpw, SEQ), jnp.int32),
          pltpu.VMEM((NBUF, SEQ, DIM), jnp.float32),
          pltpu.VMEM((bpw, DIM), jnp.float32),
      ] + [pltpu.SemaphoreType.DMA] * NBUF,
      compiler_params=pltpu.CompilerParams(use_tc_tiling_on_sc=False),
  )(_pool_body)
  return k(ids_mapped, table_flat)


def _mlp_body(x_ref, w1_ref, b1_ref, w2_ref, b2_ref, out_ref):
  x = x_ref[:]
  h = jnp.tanh(
      lax.dot_general(x, w1_ref[:], (((1,), (1,)), ((), ())),
                      preferred_element_type=jnp.float32) + b1_ref[:])
  out_ref[:] = lax.dot_general(
      h, w2_ref[:], (((1,), (1,)), ((), ())),
      preferred_element_type=jnp.float32) + b2_ref[:]


def _mlp(pooled, W1, b1, W2, b2):
  batch = pooled.shape[0]
  blk = 1024
  return pl.pallas_call(
      _mlp_body,
      grid=(batch // blk,),
      in_specs=[
          pl.BlockSpec((blk, DIM), lambda i: (i, 0)),
          pl.BlockSpec((DIM, DIM), lambda i: (0, 0)),
          pl.BlockSpec((1, DIM), lambda i: (0, 0)),
          pl.BlockSpec((NUM_CLASSES, DIM), lambda i: (0, 0)),
          pl.BlockSpec((1, NUM_CLASSES), lambda i: (0, 0)),
      ],
      out_specs=pl.BlockSpec((blk, NUM_CLASSES), lambda i: (i, 0)),
      out_shape=jax.ShapeDtypeStruct((batch, NUM_CLASSES), jnp.float32),
  )(pooled, W1, b1.reshape(1, DIM), W2, b2.reshape(1, NUM_CLASSES))


def kernel(word_ids, table, W1, b1, W2, b2):
  ids = word_ids.astype(jnp.int32)
  ids_mapped = ((ids // _DCOL) * _DCOL + 2 * (ids % _DROW)
                + ((ids // _DROW) & 1))
  table2 = _detile(table)
  table_flat = table2.reshape(table2.shape[0] * 2, DIM)
  pooled = _pool(ids_mapped, table_flat)
  return _mlp(pooled, W1, b1, W2, b2)

# --- scband reference (transcript-rebuilt; emitter-appended) ---
"""Pipeline reference for scband-bo-w-71854802862331 (READ-ONLY COPY).

The authoritative reference and input builder live on the scoring server;
editing this copy changes nothing except your own understanding.
"""

import jax, jax.numpy as jnp
import numpy as np

VOCAB = 1000000
DIM = 64
BATCH = 4096
SEQ = 200
NUM_CLASSES = 128

def setup_inputs(seed: int = 0) -> dict:
    key = jax.random.key(seed)
    k1, k2, k3, k4 = jax.random.split(key, 4)
    word_ids = jax.random.randint(k1, (BATCH, SEQ), 0, VOCAB)
    table = jax.random.normal(k2, (VOCAB, DIM), dtype=jnp.float32) * 0.02
    table = table.at[0].set(0.0)  # padding_idx=0 row zeroed
    W1 = jax.random.normal(k3, (DIM, DIM), dtype=jnp.float32) * 0.05
    b1 = jnp.zeros((DIM,), dtype=jnp.float32)
    W2 = jax.random.normal(k4, (NUM_CLASSES, DIM), dtype=jnp.float32) * 0.05
    b2 = jnp.zeros((NUM_CLASSES,), dtype=jnp.float32)
    return {"word_ids": word_ids, "table": table, "W1": W1, "b1": b1, "W2": W2, "b2": b2}

def reference(word_ids, table, W1, b1, W2, b2):
    # BoW forward (eval mode: dropout is identity)
    emb = jnp.take(table, word_ids, axis=0)          # [B, L, D] gather
    word_sum_vector = emb.sum(axis=1)                # [B, D]
    feature_vector = jnp.tanh(word_sum_vector @ W1.T + b1)
    logits = feature_vector @ W2.T + b2
    return logits

if __name__ == "__main__":
    import jax
    _d = setup_inputs()
    print(jax.jit(kernel)(*tuple(_d.values())))

</pallas_src>

<mosaic_0001>
#map = affine_map<(d0, d1) -> (0, 0)>
module attributes {stable_mosaic.version = 14 : i64} {
  func.func @_pool_body(%arg0: i32, %arg1: i32, %arg2: memref<4096x200xi32, #tpu.memory_space<hbm>>, %arg3: memref<1015808x64xf32, #tpu.memory_space<hbm>>, %arg4: memref<4096x64xf32, #tpu.memory_space<hbm>>, %arg5: memref<128x200xi32, #tpu.memory_space<vmem>>, %arg6: memref<4x200x64xf32, #tpu.memory_space<vmem>>, %arg7: memref<128x64xf32, #tpu.memory_space<vmem>>, %arg8: memref<!tpu.dma_semaphore, #tpu.memory_space<semaphore_mem>>, %arg9: memref<!tpu.dma_semaphore, #tpu.memory_space<semaphore_mem>>, %arg10: memref<!tpu.dma_semaphore, #tpu.memory_space<semaphore_mem>>, %arg11: memref<!tpu.dma_semaphore, #tpu.memory_space<semaphore_mem>>) attributes {dimension_semantics = [#tpu.dimension_semantics<core_parallel>, #tpu.dimension_semantics<subcore_parallel>], iteration_bounds = array<i64: 2, 16>, scalar_prefetch = 0 : i64, scratch_operands = 7 : i64, tpu.core_type = #tpu.core_type<sc_vector_subcore>, window_params = [{transform_indices = #map}, {transform_indices = #map}, {transform_indices = #map}]} {
    %mul3A = arith.constant 2 : i32
    %mul3A_0 = arith.muli %arg1, %mul3A : i32
    %add3A = arith.addi %mul3A_0, %arg0 : i32
    %mul3A_1 = arith.constant 128 : i32
    %mul3A_2 = arith.muli %add3A, %mul3A_1 : i32
    "tpu.region"() ({
      %run_scoped3A = tpu.sem_alloc : memref<!tpu.dma_semaphore, #tpu.memory_space<semaphore_mem>>
      %dma_start3A_313 = arith.constant 0 : i32
      %dma_start3A_314 = tpu.memref_slice %arg2[%mul3A_2, %dma_start3A_313] : memref<4096x200xi32, #tpu.memory_space<hbm>> -> memref<128x200xi32, #tpu.memory_space<hbm>>
      %dma_start3A_315 = arith.constant 0 : i32
      %dma_start3A_316 = tpu.memref_slice %arg2[%mul3A_2, %dma_start3A_315] : memref<4096x200xi32, #tpu.memory_space<hbm>> -> memref<128x200xi32, #tpu.memory_space<hbm>>
      tpu.enqueue_dma source(%dma_start3A_316 : memref<128x200xi32, #tpu.memory_space<hbm>>) target(%arg5 : memref<128x200xi32, #tpu.memory_space<vmem>>) target_semaphore(%run_scoped3A : memref<!tpu.dma_semaphore, #tpu.memory_space<semaphore_mem>>)
      %dma_wait3A_317 = arith.constant 0 : i32
      %dma_wait3A_318 = tpu.memref_slice %arg2[%mul3A_2, %dma_wait3A_317] : memref<4096x200xi32, #tpu.memory_space<hbm>> -> memref<128x200xi32, #tpu.memory_space<hbm>>
      %dma_wait3A_319 = arith.constant 0 : i32
      %dma_wait3A_320 = tpu.memref_slice %arg2[%mul3A_2, %dma_wait3A_319] : memref<4096x200xi32, #tpu.memory_space<hbm>> -> memref<128x200xi32, #tpu.memory_space<hbm>>
      tpu.wait_dma2 semaphore(%run_scoped3A : memref<!tpu.dma_semaphore, #tpu.memory_space<semaphore_mem>>) src(%dma_wait3A_320 : memref<128x200xi32, #tpu.memory_space<hbm>>) dst(%arg5 : memref<128x200xi32, #tpu.memory_space<vmem>>)
      tpu.yield
    }) : () -> ()
    %dma_start3A = arith.constant 0 : i32
    %dma_start3A_3 = arith.constant 0 : i32
    %dma_start3A_4 = arith.constant 0 : i32
    %dma_start3A_5 = arith.constant 0 : i32
    %dma_start3A_6 = tpu.memref_slice %arg6[%dma_start3A_3, %dma_start3A_4, %dma_start3A_5] : memref<4x200x64xf32, #tpu.memory_space<vmem>> -> memref<1x104x64xf32, #tpu.memory_space<vmem>>
    %dma_start3A_7 = tpu.memref_squeeze %dma_start3A_6 : memref<1x104x64xf32, #tpu.memory_space<vmem>> -> memref<104x64xf32, #tpu.memory_space<vmem>>
    %dma_start3A_8 = arith.constant 0 : i32
    %dma_start3A_9 = tpu.memref_slice %arg5[%dma_start3A, %dma_start3A_8] : memref<128x200xi32, #tpu.memory_space<vmem>> -> memref<1x104xi32, #tpu.memory_space<vmem>>
    %dma_start3A_10 = tpu.memref_squeeze %dma_start3A_9 : memref<1x104xi32, #tpu.memory_space<vmem>> -> memref<104xi32, #tpu.memory_space<vmem>>
    %dma_start3A_11 = arith.constant 0 : i32
    %dma_start3A_12 = arith.constant 0 : i32
    %dma_start3A_13 = tpu.memref_slice %arg3[%dma_start3A_11, %dma_start3A_12] : memref<1015808x64xf32, #tpu.memory_space<hbm>> -> memref<1015808x64xf32, #tpu.memory_space<hbm>>
    tpu.enqueue_indirect_dma source(%dma_start3A_13 : memref<1015808x64xf32, #tpu.memory_space<hbm>>) target(%dma_start3A_7 : memref<104x64xf32, #tpu.memory_space<vmem>>) offsets(%dma_start3A_10 : memref<104xi32, #tpu.memory_space<vmem>>) semaphore(%arg8 : memref<!tpu.dma_semaphore, #tpu.memory_space<semaphore_mem>>)
    %dma_start3A_14 = arith.constant 0 : i32
    %dma_start3A_15 = arith.constant 0 : i32
    %dma_start3A_16 = arith.constant 104 : i32
    %dma_start3A_17 = arith.constant 0 : i32
    %dma_start3A_18 = tpu.memref_slice %arg6[%dma_start3A_15, %dma_start3A_16, %dma_start3A_17] : memref<4x200x64xf32, #tpu.memory_space<vmem>> -> memref<1x96x64xf32, #tpu.memory_space<vmem>>
    %dma_start3A_19 = tpu.memref_squeeze %dma_start3A_18 : memref<1x96x64xf32, #tpu.memory_space<vmem>> -> memref<96x64xf32, #tpu.memory_space<vmem>>
    %dma_start3A_20 = arith.constant 104 : i32
    %dma_start3A_21 = tpu.memref_slice %arg5[%dma_start3A_14, %dma_start3A_20] : memref<128x200xi32, #tpu.memory_space<vmem>> -> memref<1x96xi32, #tpu.memory_space<vmem>>
    %dma_start3A_22 = tpu.memref_squeeze %dma_start3A_21 : memref<1x96xi32, #tpu.memory_space<vmem>> -> memref<96xi32, #tpu.memory_space<vmem>>
    %dma_start3A_23 = arith.constant 0 : i32
    %dma_start3A_24 = arith.constant 0 : i32
    %dma_start3A_25 = tpu.memref_slice %arg3[%dma_start3A_23, %dma_start3A_24] : memref<1015808x64xf32, #tpu.memory_space<hbm>> -> memref<1015808x64xf32, #tpu.memory_space<hbm>>
    tpu.enqueue_indirect_dma source(%dma_start3A_25 : memref<1015808x64xf32, #tpu.memory_space<hbm>>) target(%dma_start3A_19 : memref<96x64xf32, #tpu.memory_space<vmem>>) offsets(%dma_start3A_22 : memref<96xi32, #tpu.memory_space<vmem>>) semaphore(%arg8 : memref<!tpu.dma_semaphore, #tpu.memory_space<semaphore_mem>>)
    %dma_start3A_26 = arith.constant 1 : i32
    %dma_start3A_27 = arith.constant 1 : i32
    %dma_start3A_28 = arith.constant 0 : i32
    %dma_start3A_29 = arith.constant 0 : i32
    %dma_start3A_30 = tpu.memref_slice %arg6[%dma_start3A_27, %dma_start3A_28, %dma_start3A_29] : memref<4x200x64xf32, #tpu.memory_space<vmem>> -> memref<1x104x64xf32, #tpu.memory_space<vmem>>
    %dma_start3A_31 = tpu.memref_squeeze %dma_start3A_30 : memref<1x104x64xf32, #tpu.memory_space<vmem>> -> memref<104x64xf32, #tpu.memory_space<vmem>>
    %dma_start3A_32 = arith.constant 0 : i32
    %dma_start3A_33 = tpu.memref_slice %arg5[%dma_start3A_26, %dma_start3A_32] : memref<128x200xi32, #tpu.memory_space<vmem>> -> memref<1x104xi32, #tpu.memory_space<vmem>>
    %dma_start3A_34 = tpu.memref_squeeze %dma_start3A_33 : memref<1x104xi32, #tpu.memory_space<vmem>> -> memref<104xi32, #tpu.memory_space<vmem>>
    %dma_start3A_35 = arith.constant 0 : i32
    %dma_start3A_36 = arith.constant 0 : i32
    %dma_start3A_37 = tpu.memref_slice %arg3[%dma_start3A_35, %dma_start3A_36] : memref<1015808x64xf32, #tpu.memory_space<hbm>> -> memref<1015808x64xf32, #tpu.memory_space<hbm>>
    tpu.enqueue_indirect_dma source(%dma_start3A_37 : memref<1015808x64xf32, #tpu.memory_space<hbm>>) target(%dma_start3A_31 : memref<104x64xf32, #tpu.memory_space<vmem>>) offsets(%dma_start3A_34 : memref<104xi32, #tpu.memory_space<vmem>>) semaphore(%arg9 : memref<!tpu.dma_semaphore, #tpu.memory_space<semaphore_mem>>)
    %dma_start3A_38 = arith.constant 1 : i32
    %dma_start3A_39 = arith.constant 1 : i32
    %dma_start3A_40 = arith.constant 104 : i32
    %dma_start3A_41 = arith.constant 0 : i32
    %dma_start3A_42 = tpu.memref_slice %arg6[%dma_start3A_39, %dma_start3A_40, %dma_start3A_41] : memref<4x200x64xf32, #tpu.memory_space<vmem>> -> memref<1x96x64xf32, #tpu.memory_space<vmem>>
    %dma_start3A_43 = tpu.memref_squeeze %dma_start3A_42 : memref<1x96x64xf32, #tpu.memory_space<vmem>> -> memref<96x64xf32, #tpu.memory_space<vmem>>
    %dma_start3A_44 = arith.constant 104 : i32
    %dma_start3A_45 = tpu.memref_slice %arg5[%dma_start3A_38, %dma_start3A_44] : memref<128x200xi32, #tpu.memory_space<vmem>> -> memref<1x96xi32, #tpu.memory_space<vmem>>
    %dma_start3A_46 = tpu.memref_squeeze %dma_start3A_45 : memref<1x96xi32, #tpu.memory_space<vmem>> -> memref<96xi32, #tpu.memory_space<vmem>>
    %dma_start3A_47 = arith.constant 0 : i32
    %dma_start3A_48 = arith.constant 0 : i32
    %dma_start3A_49 = tpu.memref_slice %arg3[%dma_start3A_47, %dma_start3A_48] : memref<1015808x64xf32, #tpu.memory_space<hbm>> -> memref<1015808x64xf32, #tpu.memory_space<hbm>>
    tpu.enqueue_indirect_dma source(%dma_start3A_49 : memref<1015808x64xf32, #tpu.memory_space<hbm>>) target(%dma_start3A_43 : memref<96x64xf32, #tpu.memory_space<vmem>>) offsets(%dma_start3A_46 : memref<96xi32, #tpu.memory_space<vmem>>) semaphore(%arg9 : memref<!tpu.dma_semaphore, #tpu.memory_space<semaphore_mem>>)
    %dma_start3A_50 = arith.constant 2 : i32
    %dma_start3A_51 = arith.constant 2 : i32
    %dma_start3A_52 = arith.constant 0 : i32
    %dma_start3A_53 = arith.constant 0 : i32
    %dma_start3A_54 = tpu.memref_slice %arg6[%dma_start3A_51, %dma_start3A_52, %dma_start3A_53] : memref<4x200x64xf32, #tpu.memory_space<vmem>> -> memref<1x104x64xf32, #tpu.memory_space<vmem>>
    %dma_start3A_55 = tpu.memref_squeeze %dma_start3A_54 : memref<1x104x64xf32, #tpu.memory_space<vmem>> -> memref<104x64xf32, #tpu.memory_space<vmem>>
    %dma_start3A_56 = arith.constant 0 : i32
    %dma_start3A_57 = tpu.memref_slice %arg5[%dma_start3A_50, %dma_start3A_56] : memref<128x200xi32, #tpu.memory_space<vmem>> -> memref<1x104xi32, #tpu.memory_space<vmem>>
    %dma_start3A_58 = tpu.memref_squeeze %dma_start3A_57 : memref<1x104xi32, #tpu.memory_space<vmem>> -> memref<104xi32, #tpu.memory_space<vmem>>
    %dma_start3A_59 = arith.constant 0 : i32
    %dma_start3A_60 = arith.constant 0 : i32
    %dma_start3A_61 = tpu.memref_slice %arg3[%dma_start3A_59, %dma_start3A_60] : memref<1015808x64xf32, #tpu.memory_space<hbm>> -> memref<1015808x64xf32, #tpu.memory_space<hbm>>
    tpu.enqueue_indirect_dma source(%dma_start3A_61 : memref<1015808x64xf32, #tpu.memory_space<hbm>>) target(%dma_start3A_55 : memref<104x64xf32, #tpu.memory_space<vmem>>) offsets(%dma_start3A_58 : memref<104xi32, #tpu.memory_space<vmem>>) semaphore(%arg10 : memref<!tpu.dma_semaphore, #tpu.memory_space<semaphore_mem>>)
    %dma_start3A_62 = arith.constant 2 : i32
    %dma_start3A_63 = arith.constant 2 : i32
    %dma_start3A_64 = arith.constant 104 : i32
    %dma_start3A_65 = arith.constant 0 : i32
    %dma_start3A_66 = tpu.memref_slice %arg6[%dma_start3A_63, %dma_start3A_64, %dma_start3A_65] : memref<4x200x64xf32, #tpu.memory_space<vmem>> -> memref<1x96x64xf32, #tpu.memory_space<vmem>>
    %dma_start3A_67 = tpu.memref_squeeze %dma_start3A_66 : memref<1x96x64xf32, #tpu.memory_space<vmem>> -> memref<96x64xf32, #tpu.memory_space<vmem>>
    %dma_start3A_68 = arith.constant 104 : i32
    %dma_start3A_69 = tpu.memref_slice %arg5[%dma_start3A_62, %dma_start3A_68] : memref<128x200xi32, #tpu.memory_space<vmem>> -> memref<1x96xi32, #tpu.memory_space<vmem>>
    %dma_start3A_70 = tpu.memref_squeeze %dma_start3A_69 : memref<1x96xi32, #tpu.memory_space<vmem>> -> memref<96xi32, #tpu.memory_space<vmem>>
    %dma_start3A_71 = arith.constant 0 : i32
    %dma_start3A_72 = arith.constant 0 : i32
    %dma_start3A_73 = tpu.memref_slice %arg3[%dma_start3A_71, %dma_start3A_72] : memref<1015808x64xf32, #tpu.memory_space<hbm>> -> memref<1015808x64xf32, #tpu.memory_space<hbm>>
    tpu.enqueue_indirect_dma source(%dma_start3A_73 : memref<1015808x64xf32, #tpu.memory_space<hbm>>) target(%dma_start3A_67 : memref<96x64xf32, #tpu.memory_space<vmem>>) offsets(%dma_start3A_70 : memref<96xi32, #tpu.memory_space<vmem>>) semaphore(%arg10 : memref<!tpu.dma_semaphore, #tpu.memory_space<semaphore_mem>>)
    %dma_start3A_74 = arith.constant 3 : i32
    %dma_start3A_75 = arith.constant 3 : i32
    %dma_start3A_76 = arith.constant 0 : i32
    %dma_start3A_77 = arith.constant 0 : i32
    %dma_start3A_78 = tpu.memref_slice %arg6[%dma_start3A_75, %dma_start3A_76, %dma_start3A_77] : memref<4x200x64xf32, #tpu.memory_space<vmem>> -> memref<1x104x64xf32, #tpu.memory_space<vmem>>
    %dma_start3A_79 = tpu.memref_squeeze %dma_start3A_78 : memref<1x104x64xf32, #tpu.memory_space<vmem>> -> memref<104x64xf32, #tpu.memory_space<vmem>>
    %dma_start3A_80 = arith.constant 0 : i32
    %dma_start3A_81 = tpu.memref_slice %arg5[%dma_start3A_74, %dma_start3A_80] : memref<128x200xi32, #tpu.memory_space<vmem>> -> memref<1x104xi32, #tpu.memory_space<vmem>>
    %dma_start3A_82 = tpu.memref_squeeze %dma_start3A_81 : memref<1x104xi32, #tpu.memory_space<vmem>> -> memref<104xi32, #tpu.memory_space<vmem>>
    %dma_start3A_83 = arith.constant 0 : i32
    %dma_start3A_84 = arith.constant 0 : i32
    %dma_start3A_85 = tpu.memref_slice %arg3[%dma_start3A_83, %dma_start3A_84] : memref<1015808x64xf32, #tpu.memory_space<hbm>> -> memref<1015808x64xf32, #tpu.memory_space<hbm>>
    tpu.enqueue_indirect_dma source(%dma_start3A_85 : memref<1015808x64xf32, #tpu.memory_space<hbm>>) target(%dma_start3A_79 : memref<104x64xf32, #tpu.memory_space<vmem>>) offsets(%dma_start3A_82 : memref<104xi32, #tpu.memory_space<vmem>>) semaphore(%arg11 : memref<!tpu.dma_semaphore, #tpu.memory_space<semaphore_mem>>)
    %dma_start3A_86 = arith.constant 3 : i32
    %dma_start3A_87 = arith.constant 3 : i32
    %dma_start3A_88 = arith.constant 104 : i32
    %dma_start3A_89 = arith.constant 0 : i32
    %dma_start3A_90 = tpu.memref_slice %arg6[%dma_start3A_87, %dma_start3A_88, %dma_start3A_89] : memref<4x200x64xf32, #tpu.memory_space<vmem>> -> memref<1x96x64xf32, #tpu.memory_space<vmem>>
    %dma_start3A_91 = tpu.memref_squeeze %dma_start3A_90 : memref<1x96x64xf32, #tpu.memory_space<vmem>> -> memref<96x64xf32, #tpu.memory_space<vmem>>
    %dma_start3A_92 = arith.constant 104 : i32
    %dma_start3A_93 = tpu.memref_slice %arg5[%dma_start3A_86, %dma_start3A_92] : memref<128x200xi32, #tpu.memory_space<vmem>> -> memref<1x96xi32, #tpu.memory_space<vmem>>
    %dma_start3A_94 = tpu.memref_squeeze %dma_start3A_93 : memref<1x96xi32, #tpu.memory_space<vmem>> -> memref<96xi32, #tpu.memory_space<vmem>>
    %dma_start3A_95 = arith.constant 0 : i32
    %dma_start3A_96 = arith.constant 0 : i32
    %dma_start3A_97 = tpu.memref_slice %arg3[%dma_start3A_95, %dma_start3A_96] : memref<1015808x64xf32, #tpu.memory_space<hbm>> -> memref<1015808x64xf32, #tpu.memory_space<hbm>>
    tpu.enqueue_indirect_dma source(%dma_start3A_97 : memref<1015808x64xf32, #tpu.memory_space<hbm>>) target(%dma_start3A_91 : memref<96x64xf32, #tpu.memory_space<vmem>>) offsets(%dma_start3A_94 : memref<96xi32, #tpu.memory_space<vmem>>) semaphore(%arg11 : memref<!tpu.dma_semaphore, #tpu.memory_space<semaphore_mem>>)
    %scan3A = arith.constant 0 : i32
    %scan3A_98 = arith.constant 0 : i32
    %scan3A_99 = arith.constant 31 : i32
    %scan3A_100 = arith.addi %scan3A_98, %scan3A_99 : i32
    %scan3A_101 = arith.constant 1 : i32
    %scan3A_102 = scf.for %scan3A_313 = %scan3A_98 to %scan3A_100 step %scan3A_101 iter_args(%scan3A_314 = %scan3A) -> (i32)  : i32 {
      %mul3A_315 = arith.constant 4 : i32
      %mul3A_316 = arith.muli %scan3A_313, %mul3A_315 : i32
      %add3A_317 = arith.constant 0 : i32
      %add3A_318 = arith.addi %mul3A_316, %add3A_317 : i32
      %dma_wait3A_319 = arith.constant 0 : i32
      %dma_wait3A_320 = arith.constant 0 : i32
      %dma_wait3A_321 = arith.constant 0 : i32
      %dma_wait3A_322 = tpu.memref_slice %arg6[%dma_wait3A_319, %dma_wait3A_320, %dma_wait3A_321] : memref<4x200x64xf32, #tpu.memory_space<vmem>> -> memref<1x200x64xf32, #tpu.memory_space<vmem>>
      %dma_wait3A_323 = tpu.memref_squeeze %dma_wait3A_322 : memref<1x200x64xf32, #tpu.memory_space<vmem>> -> memref<200x64xf32, #tpu.memory_space<vmem>>
      %dma_wait3A_324 = arith.constant 0 : i32
      %dma_wait3A_325 = arith.constant 0 : i32
      %dma_wait3A_326 = tpu.memref_slice %arg3[%dma_wait3A_324, %dma_wait3A_325] : memref<1015808x64xf32, #tpu.memory_space<hbm>> -> memref<200x64xf32, #tpu.memory_space<hbm>>
      %dma_wait3A_327 = arith.constant 0 : i32
      %dma_wait3A_328 = arith.constant 0 : i32
      %dma_wait3A_329 = tpu.memref_slice %arg6[%dma_wait3A_319, %dma_wait3A_327, %dma_wait3A_328] : memref<4x200x64xf32, #tpu.memory_space<vmem>> -> memref<1x200x64xf32, #tpu.memory_space<vmem>>
      %dma_wait3A_330 = tpu.memref_squeeze %dma_wait3A_329 : memref<1x200x64xf32, #tpu.memory_space<vmem>> -> memref<200x64xf32, #tpu.memory_space<vmem>>
      %dma_wait3A_331 = arith.constant 0 : i32
      %dma_wait3A_332 = arith.constant 0 : i32
      %dma_wait3A_333 = tpu.memref_slice %arg3[%dma_wait3A_331, %dma_wait3A_332] : memref<1015808x64xf32, #tpu.memory_space<hbm>> -> memref<200x64xf32, #tpu.memory_space<hbm>>
      tpu.wait_dma2 semaphore(%arg8 : memref<!tpu.dma_semaphore, #tpu.memory_space<semaphore_mem>>) src(%dma_wait3A_333 : memref<200x64xf32, #tpu.memory_space<hbm>>) dst(%dma_wait3A_330 : memref<200x64xf32, #tpu.memory_space<vmem>>)
      %broadcast_in_dim3A_334 = arith.constant 0.000000e+00 : f32
      %broadcast_in_dim3A_335 = vector.broadcast %broadcast_in_dim3A_334 : f32 to vector<16xf32>
      %broadcast_in_dim3A_336 = arith.constant 0.000000e+00 : f32
      %broadcast_in_dim3A_337 = vector.broadcast %broadcast_in_dim3A_336 : f32 to vector<16xf32>
      %broadcast_in_dim3A_338 = arith.constant 0.000000e+00 : f32
      %broadcast_in_dim3A_339 = vector.broadcast %broadcast_in_dim3A_338 : f32 to vector<16xf32>
      %broadcast_in_dim3A_340 = arith.constant 0.000000e+00 : f32
      %broadcast_in_dim3A_341 = vector.broadcast %broadcast_in_dim3A_340 : f32 to vector<16xf32>
      %scan3A_342 = arith.constant 0 : i32
      %scan3A_343 = arith.constant 50 : i32
      %scan3A_344 = arith.addi %scan3A_342, %scan3A_343 : i32
      %scan3A_345 = arith.constant 1 : i32
      %scan3A_346:4 = scf.for %scan3A_624 = %scan3A_342 to %scan3A_344 step %scan3A_345 iter_args(%scan3A_625 = %broadcast_in_dim3A_335, %scan3A_626 = %broadcast_in_dim3A_337, %scan3A_627 = %broadcast_in_dim3A_339, %scan3A_628 = %broadcast_in_dim3A_341) -> (vector<16xf32>, vector<16xf32>, vector<16xf32>, vector<16xf32>)  : i32 {
        %mul3A_629 = arith.constant 4 : i32
        %mul3A_630 = arith.muli %scan3A_624, %mul3A_629 : i32
        %add3A_631 = arith.constant 0 : i32
        %add3A_632 = arith.addi %mul3A_630, %add3A_631 : i32
        %get3A = arith.constant 0 : i32
        %get3A_633 = arith.index_cast %get3A : i32 to index
        %get3A_634 = arith.index_cast %add3A_632 : i32 to index
        %get3A_635 = arith.constant 0 : index
        %get3A_636 = tpu.vector_load %arg6[%get3A_633, %get3A_634, %get3A_635] {strides = array<i32>} : memref<4x200x64xf32, #tpu.memory_space<vmem>>, vector<1x1x16xf32>,
        %get3A_637 = vector.shape_cast %get3A_636 : vector<1x1x16xf32> to vector<16xf32>
        %add3A_638 = arith.addf %scan3A_625, %get3A_637 : vector<16xf32>
        %add3A_639 = arith.constant 0 : i32
        %add3A_640 = arith.addi %mul3A_630, %add3A_639 : i32
        %get3A_641 = arith.constant 0 : i32
        %get3A_642 = arith.index_cast %get3A_641 : i32 to index
        %get3A_643 = arith.index_cast %add3A_640 : i32 to index
        %get3A_644 = arith.constant 16 : index
        %get3A_645 = tpu.vector_load %arg6[%get3A_642, %get3A_643, %get3A_644] {strides = array<i32>} : memref<4x200x64xf32, #tpu.memory_space<vmem>>, vector<1x1x16xf32>,
        %get3A_646 = vector.shape_cast %get3A_645 : vector<1x1x16xf32> to vector<16xf32>
        %add3A_647 = arith.addf %scan3A_626, %get3A_646 : vector<16xf32>
        %add3A_648 = arith.constant 0 : i32
        %add3A_649 = arith.addi %mul3A_630, %add3A_648 : i32
        %get3A_650 = arith.constant 0 : i32
        %get3A_651 = arith.index_cast %get3A_650 : i32 to index
        %get3A_652 = arith.index_cast %add3A_649 : i32 to index
        %get3A_653 = arith.constant 32 : index
        %get3A_654 = tpu.vector_load %arg6[%get3A_651, %get3A_652, %get3A_653] {strides = array<i32>} : memref<4x200x64xf32, #tpu.memory_space<vmem>>, vector<1x1x16xf32>,
        %get3A_655 = vector.shape_cast %get3A_654 : vector<1x1x16xf32> to vector<16xf32>
        %add3A_656 = arith.addf %scan3A_627, %get3A_655 : vector<16xf32>
        %add3A_657 = arith.constant 0 : i32
        %add3A_658 = arith.addi %mul3A_630, %add3A_657 : i32
        %get3A_659 = arith.constant 0 : i32
        %get3A_660 = arith.index_cast %get3A_659 : i32 to index
        %get3A_661 = arith.index_cast %add3A_658 : i32 to index
        %get3A_662 = arith.constant 48 : index
        %get3A_663 = tpu.vector_load %arg6[%get3A_660, %get3A_661, %get3A_662] {strides = array<i32>} : memref<4x200x64xf32, #tpu.memory_space<vmem>>, vector<1x1x16xf32>,
        %get3A_664 = vector.shape_cast %get3A_663 : vector<1x1x16xf32> to vector<16xf32>
        %add3A_665 = arith.addf %scan3A_628, %get3A_664 : vector<16xf32>
        %add3A_666 = arith.constant 1 : i32
        %add3A_667 = arith.addi %mul3A_630, %add3A_666 : i32
        %get3A_668 = arith.constant 0 : i32
        %get3A_669 = arith.index_cast %get3A_668 : i32 to index
        %get3A_670 = arith.index_cast %add3A_667 : i32 to index
        %get3A_671 = arith.constant 0 : index
        %get3A_672 = tpu.vector_load %arg6[%get3A_669, %get3A_670, %get3A_671] {strides = array<i32>} : memref<4x200x64xf32, #tpu.memory_space<vmem>>, vector<1x1x16xf32>,
        %get3A_673 = vector.shape_cast %get3A_672 : vector<1x1x16xf32> to vector<16xf32>
        %add3A_674 = arith.addf %add3A_638, %get3A_673 : vector<16xf32>
        %add3A_675 = arith.constant 1 : i32
        %add3A_676 = arith.addi %mul3A_630, %add3A_675 : i32
        %get3A_677 = arith.constant 0 : i32
        %get3A_678 = arith.index_cast %get3A_677 : i32 to index
        %get3A_679 = arith.index_cast %add3A_676 : i32 to index
        %get3A_680 = arith.constant 16 : index
        %get3A_681 = tpu.vector_load %arg6[%get3A_678, %get3A_679, %get3A_680] {strides = array<i32>} : memref<4x200x64xf32, #tpu.memory_space<vmem>>, vector<1x1x16xf32>,
        %get3A_682 = vector.shape_cast %get3A_681 : vector<1x1x16xf32> to vector<16xf32>
        %add3A_683 = arith.addf %add3A_647, %get3A_682 : vector<16xf32>
        %add3A_684 = arith.constant 1 : i32
        %add3A_685 = arith.addi %mul3A_630, %add3A_684 : i32
        %get3A_686 = arith.constant 0 : i32
        %get3A_687 = arith.index_cast %get3A_686 : i32 to index
        %get3A_688 = arith.index_cast %add3A_685 : i32 to index
        %get3A_689 = arith.constant 32 : index
        %get3A_690 = tpu.vector_load %arg6[%get3A_687, %get3A_688, %get3A_689] {strides = array<i32>} : memref<4x200x64xf32, #tpu.memory_space<vmem>>, vector<1x1x16xf32>,
        %get3A_691 = vector.shape_cast %get3A_690 : vector<1x1x16xf32> to vector<16xf32>
        %add3A_692 = arith.addf %add3A_656, %get3A_691 : vector<16xf32>
        %add3A_693 = arith.constant 1 : i32
        %add3A_694 = arith.addi %mul3A_630, %add3A_693 : i32
        %get3A_695 = arith.constant 0 : i32
        %get3A_696 = arith.index_cast %get3A_695 : i32 to index
        %get3A_697 = arith.index_cast %add3A_694 : i32 to index
        %get3A_698 = arith.constant 48 : index
        %get3A_699 = tpu.vector_load %arg6[%get3A_696, %get3A_697, %get3A_698] {strides = array<i32>} : memref<4x200x64xf32, #tpu.memory_space<vmem>>, vector<1x1x16xf32>,
        %get3A_700 = vector.shape_cast %get3A_699 : vector<1x1x16xf32> to vector<16xf32>
        %add3A_701 = arith.addf %add3A_665, %get3A_700 : vector<16xf32>
        %add3A_702 = arith.constant 2 : i32
        %add3A_703 = arith.addi %mul3A_630, %add3A_702 : i32
        %get3A_704 = arith.constant 0 : i32
        %get3A_705 = arith.index_cast %get3A_704 : i32 to index
        %get3A_706 = arith.index_cast %add3A_703 : i32 to index
        %get3A_707 = arith.constant 0 : index
        %get3A_708 = tpu.vector_load %arg6[%get3A_705, %get3A_706, %get3A_707] {strides = array<i32>} : memref<4x200x64xf32, #tpu.memory_space<vmem>>, vector<1x1x16xf32>,
        %get3A_709 = vector.shape_cast %get3A_708 : vector<1x1x16xf32> to vector<16xf32>
        %add3A_710 = arith.addf %add3A_674, %get3A_709 : vector<16xf32>
        %add3A_711 = arith.constant 2 : i32
        %add3A_712 = arith.addi %mul3A_630, %add3A_711 : i32
        %get3A_713 = arith.constant 0 : i32
        %get3A_714 = arith.index_cast %get3A_713 : i32 to index
        %get3A_715 = arith.index_cast %add3A_712 : i32 to index
        %get3A_716 = arith.constant 16 : index
        %get3A_717 = tpu.vector_load %arg6[%get3A_714, %get3A_715, %get3A_716] {strides = array<i32>} : memref<4x200x64xf32, #tpu.memory_space<vmem>>, vector<1x1x16xf32>,
        %get3A_718 = vector.shape_cast %get3A_717 : vector<1x1x16xf32> to vector<16xf32>
        %add3A_719 = arith.addf %add3A_683, %get3A_718 : vector<16xf32>
        %add3A_720 = arith.constant 2 : i32
        %add3A_721 = arith.addi %mul3A_630, %add3A_720 : i32
        %get3A_722 = arith.constant 0 : i32
        %get3A_723 = arith.index_cast %get3A_722 : i32 to index
        %get3A_724 = arith.index_cast %add3A_721 : i32 to index
        %get3A_725 = arith.constant 32 : index
        %get3A_726 = tpu.vector_load %arg6[%get3A_723, %get3A_724, %get3A_725] {strides = array<i32>} : memref<4x200x64xf32, #tpu.memory_space<vmem>>, vector<1x1x16xf32>,
        %get3A_727 = vector.shape_cast %get3A_726 : vector<1x1x16xf32> to vector<16xf32>
        %add3A_728 = arith.addf %add3A_692, %get3A_727 : vector<16xf32>
        %add3A_729 = arith.constant 2 : i32
        %add3A_730 = arith.addi %mul3A_630, %add3A_729 : i32
        %get3A_731 = arith.constant 0 : i32
        %get3A_732 = arith.index_cast %get3A_731 : i32 to index
        %get3A_733 = arith.index_cast %add3A_730 : i32 to index
        %get3A_734 = arith.constant 48 : index
        %get3A_735 = tpu.vector_load %arg6[%get3A_732, %get3A_733, %get3A_734] {strides = array<i32>} : memref<4x200x64xf32, #tpu.memory_space<vmem>>, vector<1x1x16xf32>,
        %get3A_736 = vector.shape_cast %get3A_735 : vector<1x1x16xf32> to vector<16xf32>
        %add3A_737 = arith.addf %add3A_701, %get3A_736 : vector<16xf32>
        %add3A_738 = arith.constant 3 : i32
        %add3A_739 = arith.addi %mul3A_630, %add3A_738 : i32
        %get3A_740 = arith.constant 0 : i32
        %get3A_741 = arith.index_cast %get3A_740 : i32 to index
        %get3A_742 = arith.index_cast %add3A_739 : i32 to index
        %get3A_743 = arith.constant 0 : index
        %get3A_744 = tpu.vector_load %arg6[%get3A_741, %get3A_742, %get3A_743] {strides = array<i32>} : memref<4x200x64xf32, #tpu.memory_space<vmem>>, vector<1x1x16xf32>,
        %get3A_745 = vector.shape_cast %get3A_744 : vector<1x1x16xf32> to vector<16xf32>
        %add3A_746 = arith.addf %add3A_710, %get3A_745 : vector<16xf32>
        %add3A_747 = arith.constant 3 : i32
        %add3A_748 = arith.addi %mul3A_630, %add3A_747 : i32
        %get3A_749 = arith.constant 0 : i32
        %get3A_750 = arith.index_cast %get3A_749 : i32 to index
        %get3A_751 = arith.index_cast %add3A_748 : i32 to index
        %get3A_752 = arith.constant 16 : index
        %get3A_753 = tpu.vector_load %arg6[%get3A_750, %get3A_751, %get3A_752] {strides = array<i32>} : memref<4x200x64xf32, #tpu.memory_space<vmem>>, vector<1x1x16xf32>,
        %get3A_754 = vector.shape_cast %get3A_753 : vector<1x1x16xf32> to vector<16xf32>
        %add3A_755 = arith.addf %add3A_719, %get3A_754 : vector<16xf32>
        %add3A_756 = arith.constant 3 : i32
        %add3A_757 = arith.addi %mul3A_630, %add3A_756 : i32
        %get3A_758 = arith.constant 0 : i32
        %get3A_759 = arith.index_cast %get3A_758 : i32 to index
        %get3A_760 = arith.index_cast %add3A_757 : i32 to index
        %get3A_761 = arith.constant 32 : index
        %get3A_762 = tpu.vector_load %arg6[%get3A_759, %get3A_760, %get3A_761] {strides = array<i32>} : memref<4x200x64xf32, #tpu.memory_space<vmem>>, vector<1x1x16xf32>,
        %get3A_763 = vector.shape_cast %get3A_762 : vector<1x1x16xf32> to vector<16xf32>
        %add3A_764 = arith.addf %add3A_728, %get3A_763 : vector<16xf32>
        %add3A_765 = arith.constant 3 : i32
        %add3A_766 = arith.addi %mul3A_630, %add3A_765 : i32
        %get3A_767 = arith.constant 0 : i32
        %get3A_768 = arith.index_cast %get3A_767 : i32 to index
        %get3A_769 = arith.index_cast %add3A_766 : i32 to index
        %get3A_770 = arith.constant 48 : index
        %get3A_771 = tpu.vector_load %arg6[%get3A_768, %get3A_769, %get3A_770] {strides = array<i32>} : memref<4x200x64xf32, #tpu.memory_space<vmem>>, vector<1x1x16xf32>,
        %get3A_772 = vector.shape_cast %get3A_771 : vector<1x1x16xf32> to vector<16xf32>
        %add3A_773 = arith.addf %add3A_737, %get3A_772 : vector<16xf32>
        scf.yield %add3A_746, %add3A_755, %add3A_764, %add3A_773 : vector<16xf32>, vector<16xf32>, vector<16xf32>, vector<16xf32>
      }
      %scan3A_347 = arith.constant 50 : i32
      %swap3A_348 = arith.index_cast %add3A_318 : i32 to index
      %swap3A_349 = arith.constant 0 : index
      %swap3A_350 = tpu.vector_load %arg7[%swap3A_348, %swap3A_349] {strides = array<i32>} : memref<128x64xf32, #tpu.memory_space<vmem>>, vector<1x16xf32>,
      %swap3A_351 = vector.shape_cast %swap3A_350 : vector<1x16xf32> to vector<16xf32>
      %swap3A_352 = vector.shape_cast %scan3A_346#0 : vector<16xf32> to vector<1x16xf32>
      tpu.vector_store %arg7[%swap3A_348, %swap3A_349], %swap3A_352 {strides = array<i32>} : memref<128x64xf32, #tpu.memory_space<vmem>>, vector<1x16xf32>,
      %swap3A_353 = arith.index_cast %add3A_318 : i32 to index
      %swap3A_354 = arith.constant 16 : index
      %swap3A_355 = tpu.vector_load %arg7[%swap3A_353, %swap3A_354] {strides = array<i32>} : memref<128x64xf32, #tpu.memory_space<vmem>>, vector<1x16xf32>,
      %swap3A_356 = vector.shape_cast %swap3A_355 : vector<1x16xf32> to vector<16xf32>
      %swap3A_357 = vector.shape_cast %scan3A_346#1 : vector<16xf32> to vector<1x16xf32>
      tpu.vector_store %arg7[%swap3A_353, %swap3A_354], %swap3A_357 {strides = array<i32>} : memref<128x64xf32, #tpu.memory_space<vmem>>, vector<1x16xf32>,
      %swap3A_358 = arith.index_cast %add3A_318 : i32 to index
      %swap3A_359 = arith.constant 32 : index
      %swap3A_360 = tpu.vector_load %arg7[%swap3A_358, %swap3A_359] {strides = array<i32>} : memref<128x64xf32, #tpu.memory_space<vmem>>, vector<1x16xf32>,
      %swap3A_361 = vector.shape_cast %swap3A_360 : vector<1x16xf32> to vector<16xf32>
      %swap3A_362 = vector.shape_cast %scan3A_346#2 : vector<16xf32> to vector<1x16xf32>
      tpu.vector_store %arg7[%swap3A_358, %swap3A_359], %swap3A_362 {strides = array<i32>} : memref<128x64xf32, #tpu.memory_space<vmem>>, vector<1x16xf32>,
      %swap3A_363 = arith.index_cast %add3A_318 : i32 to index
      %swap3A_364 = arith.constant 48 : index
      %swap3A_365 = tpu.vector_load %arg7[%swap3A_363, %swap3A_364] {strides = array<i32>} : memref<128x64xf32, #tpu.memory_space<vmem>>, vector<1x16xf32>,
      %swap3A_366 = vector.shape_cast %swap3A_365 : vector<1x16xf32> to vector<16xf32>
      %swap3A_367 = vector.shape_cast %scan3A_346#3 : vector<16xf32> to vector<1x16xf32>
      tpu.vector_store %arg7[%swap3A_363, %swap3A_364], %swap3A_367 {strides = array<i32>} : memref<128x64xf32, #tpu.memory_space<vmem>>, vector<1x16xf32>,
      %add3A_368 = arith.constant 4 : i32
      %add3A_369 = arith.addi %add3A_318, %add3A_368 : i32
      %dma_start3A_370 = arith.constant 0 : i32
      %dma_start3A_371 = arith.constant 0 : i32
      %dma_start3A_372 = arith.constant 0 : i32
      %dma_start3A_373 = tpu.memref_slice %arg6[%dma_start3A_370, %dma_start3A_371, %dma_start3A_372] : memref<4x200x64xf32, #tpu.memory_space<vmem>> -> memref<1x104x64xf32, #tpu.memory_space<vmem>>
      %dma_start3A_374 = tpu.memref_squeeze %dma_start3A_373 : memref<1x104x64xf32, #tpu.memory_space<vmem>> -> memref<104x64xf32, #tpu.memory_space<vmem>>
      %dma_start3A_375 = arith.constant 0 : i32
      %dma_start3A_376 = tpu.memref_slice %arg5[%add3A_369, %dma_start3A_375] : memref<128x200xi32, #tpu.memory_space<vmem>> -> memref<1x104xi32, #tpu.memory_space<vmem>>
      %dma_start3A_377 = tpu.memref_squeeze %dma_start3A_376 : memref<1x104xi32, #tpu.memory_space<vmem>> -> memref<104xi32, #tpu.memory_space<vmem>>
      %dma_start3A_378 = arith.constant 0 : i32
      %dma_start3A_379 = arith.constant 0 : i32
      %dma_start3A_380 = tpu.memref_slice %arg3[%dma_start3A_378, %dma_start3A_379] : memref<1015808x64xf32, #tpu.memory_space<hbm>> -> memref<1015808x64xf32, #tpu.memory_space<hbm>>
      tpu.enqueue_indirect_dma source(%dma_start3A_380 : memref<1015808x64xf32, #tpu.memory_space<hbm>>) target(%dma_start3A_374 : memref<104x64xf32, #tpu.memory_space<vmem>>) offsets(%dma_start3A_377 : memref<104xi32, #tpu.memory_space<vmem>>) semaphore(%arg8 : memref<!tpu.dma_semaphore, #tpu.memory_space<semaphore_mem>>)
      %dma_start3A_381 = arith.constant 0 : i32
      %dma_start3A_382 = arith.constant 104 : i32
      %dma_start3A_383 = arith.constant 0 : i32
      %dma_start3A_384 = tpu.memref_slice %arg6[%dma_start3A_381, %dma_start3A_382, %dma_start3A_383] : memref<4x200x64xf32, #tpu.memory_space<vmem>> -> memref<1x96x64xf32, #tpu.memory_space<vmem>>
      %dma_start3A_385 = tpu.memref_squeeze %dma_start3A_384 : memref<1x96x64xf32, #tpu.memory_space<vmem>> -> memref<96x64xf32, #tpu.memory_space<vmem>>
      %dma_start3A_386 = arith.constant 104 : i32
      %dma_start3A_387 = tpu.memref_slice %arg5[%add3A_369, %dma_start3A_386] : memref<128x200xi32, #tpu.memory_space<vmem>> -> memref<1x96xi32, #tpu.memory_space<vmem>>
      %dma_start3A_388 = tpu.memref_squeeze %dma_start3A_387 : memref<1x96xi32, #tpu.memory_space<vmem>> -> memref<96xi32, #tpu.memory_space<vmem>>
      %dma_start3A_389 = arith.constant 0 : i32
      %dma_start3A_390 = arith.constant 0 : i32
      %dma_start3A_391 = tpu.memref_slice %arg3[%dma_start3A_389, %dma_start3A_390] : memref<1015808x64xf32, #tpu.memory_space<hbm>> -> memref<1015808x64xf32, #tpu.memory_space<hbm>>
      tpu.enqueue_indirect_dma source(%dma_start3A_391 : memref<1015808x64xf32, #tpu.memory_space<hbm>>) target(%dma_start3A_385 : memref<96x64xf32, #tpu.memory_space<vmem>>) offsets(%dma_start3A_388 : memref<96xi32, #tpu.memory_space<vmem>>) semaphore(%arg8 : memref<!tpu.dma_semaphore, #tpu.memory_space<semaphore_mem>>)
      %mul3A_392 = arith.constant 4 : i32
      %mul3A_393 = arith.muli %scan3A_313, %mul3A_392 : i32
      %add3A_394 = arith.constant 1 : i32
      %add3A_395 = arith.addi %mul3A_393, %add3A_394 : i32
      %dma_wait3A_396 = arith.constant 1 : i32
      %dma_wait3A_397 = arith.constant 0 : i32
      %dma_wait3A_398 = arith.constant 0 : i32
      %dma_wait3A_399 = tpu.memref_slice %arg6[%dma_wait3A_396, %dma_wait3A_397, %dma_wait3A_398] : memref<4x200x64xf32, #tpu.memory_space<vmem>> -> memref<1x200x64xf32, #tpu.memory_space<vmem>>
      %dma_wait3A_400 = tpu.memref_squeeze %dma_wait3A_399 : memref<1x200x64xf32, #tpu.memory_space<vmem>> -> memref<200x64xf32, #tpu.memory_space<vmem>>
      %dma_wait3A_401 = arith.constant 0 : i32
      %dma_wait3A_402 = arith.constant 0 : i32
      %dma_wait3A_403 = tpu.memref_slice %arg3[%dma_wait3A_401, %dma_wait3A_402] : memref<1015808x64xf32, #tpu.memory_space<hbm>> -> memref<200x64xf32, #tpu.memory_space<hbm>>
      %dma_wait3A_404 = arith.constant 0 : i32
      %dma_wait3A_405 = arith.constant 0 : i32
      %dma_wait3A_406 = tpu.memref_slice %arg6[%dma_wait3A_396, %dma_wait3A_404, %dma_wait3A_405] : memref<4x200x64xf32, #tpu.memory_space<vmem>> -> memref<1x200x64xf32, #tpu.memory_space<vmem>>
      %dma_wait3A_407 = tpu.memref_squeeze %dma_wait3A_406 : memref<1x200x64xf32, #tpu.memory_space<vmem>> -> memref<200x64xf32, #tpu.memory_space<vmem>>
      %dma_wait3A_408 = arith.constant 0 : i32
      %dma_wait3A_409 = arith.constant 0 : i32
      %dma_wait3A_410 = tpu.memref_slice %arg3[%dma_wait3A_408, %dma_wait3A_409] : memref<1015808x64xf32, #tpu.memory_space<hbm>> -> memref<200x64xf32, #tpu.memory_space<hbm>>
      tpu.wait_dma2 semaphore(%arg9 : memref<!tpu.dma_semaphore, #tpu.memory_space<semaphore_mem>>) src(%dma_wait3A_410 : memref<200x64xf32, #tpu.memory_space<hbm>>) dst(%dma_wait3A_407 : memref<200x64xf32, #tpu.memory_space<vmem>>)
      %broadcast_in_dim3A_411 = arith.constant 0.000000e+00 : f32
      %broadcast_in_dim3A_412 = vector.broadcast %broadcast_in_dim3A_411 : f32 to vector<16xf32>
      %broadcast_in_dim3A_413 = arith.constant 0.000000e+00 : f32
      %broadcast_in_dim3A_414 = vector.broadcast %broadcast_in_dim3A_413 : f32 to vector<16xf32>
      %broadcast_in_dim3A_415 = arith.constant 0.000000e+00 : f32
      %broadcast_in_dim3A_416 = vector.broadcast %broadcast_in_dim3A_415 : f32 to vector<16xf32>
      %broadcast_in_dim3A_417 = arith.constant 0.000000e+00 : f32
      %broadcast_in_dim3A_418 = vector.broadcast %broadcast_in_dim3A_417 : f32 to vector<16xf32>
      %scan3A_419 = arith.constant 0 : i32
      %scan3A_420 = arith.constant 50 : i32
      %scan3A_421 = arith.addi %scan3A_419, %scan3A_420 : i32
      %scan3A_422 = arith.constant 1 : i32
      %scan3A_423:4 = scf.for %scan3A_624 = %scan3A_419 to %scan3A_421 step %scan3A_422 iter_args(%scan3A_625 = %broadcast_in_dim3A_412, %scan3A_626 = %broadcast_in_dim3A_414, %scan3A_627 = %broadcast_in_dim3A_416, %scan3A_628 = %broadcast_in_dim3A_418) -> (vector<16xf32>, vector<16xf32>, vector<16xf32>, vector<16xf32>)  : i32 {
        %mul3A_629 = arith.constant 4 : i32
        %mul3A_630 = arith.muli %scan3A_624, %mul3A_629 : i32
        %add3A_631 = arith.constant 0 : i32
        %add3A_632 = arith.addi %mul3A_630, %add3A_631 : i32
        %get3A = arith.constant 1 : i32
        %get3A_633 = arith.index_cast %get3A : i32 to index
        %get3A_634 = arith.index_cast %add3A_632 : i32 to index
        %get3A_635 = arith.constant 0 : index
        %get3A_636 = tpu.vector_load %arg6[%get3A_633, %get3A_634, %get3A_635] {strides = array<i32>} : memref<4x200x64xf32, #tpu.memory_space<vmem>>, vector<1x1x16xf32>,
        %get3A_637 = vector.shape_cast %get3A_636 : vector<1x1x16xf32> to vector<16xf32>
        %add3A_638 = arith.addf %scan3A_625, %get3A_637 : vector<16xf32>
        %add3A_639 = arith.constant 0 : i32
        %add3A_640 = arith.addi %mul3A_630, %add3A_639 : i32
        %get3A_641 = arith.constant 1 : i32
        %get3A_642 = arith.index_cast %get3A_641 : i32 to index
        %get3A_643 = arith.index_cast %add3A_640 : i32 to index
        %get3A_644 = arith.constant 16 : index
        %get3A_645 = tpu.vector_load %arg6[%get3A_642, %get3A_643, %get3A_644] {strides = array<i32>} : memref<4x200x64xf32, #tpu.memory_space<vmem>>, vector<1x1x16xf32>,
        %get3A_646 = vector.shape_cast %get3A_645 : vector<1x1x16xf32> to vector<16xf32>
        %add3A_647 = arith.addf %scan3A_626, %get3A_646 : vector<16xf32>
        %add3A_648 = arith.constant 0 : i32
        %add3A_649 = arith.addi %mul3A_630, %add3A_648 : i32
        %get3A_650 = arith.constant 1 : i32
        %get3A_651 = arith.index_cast %get3A_650 : i32 to index
        %get3A_652 = arith.index_cast %add3A_649 : i32 to index
        %get3A_653 = arith.constant 32 : index
        %get3A_654 = tpu.vector_load %arg6[%get3A_651, %get3A_652, %get3A_653] {strides = array<i32>} : memref<4x200x64xf32, #tpu.memory_space<vmem>>, vector<1x1x16xf32>,
        %get3A_655 = vector.shape_cast %get3A_654 : vector<1x1x16xf32> to vector<16xf32>
        %add3A_656 = arith.addf %scan3A_627, %get3A_655 : vector<16xf32>
        %add3A_657 = arith.constant 0 : i32
        %add3A_658 = arith.addi %mul3A_630, %add3A_657 : i32
        %get3A_659 = arith.constant 1 : i32
        %get3A_660 = arith.index_cast %get3A_659 : i32 to index
        %get3A_661 = arith.index_cast %add3A_658 : i32 to index
        %get3A_662 = arith.constant 48 : index
        %get3A_663 = tpu.vector_load %arg6[%get3A_660, %get3A_661, %get3A_662] {strides = array<i32>} : memref<4x200x64xf32, #tpu.memory_space<vmem>>, vector<1x1x16xf32>,
        %get3A_664 = vector.shape_cast %get3A_663 : vector<1x1x16xf32> to vector<16xf32>
        %add3A_665 = arith.addf %scan3A_628, %get3A_664 : vector<16xf32>
        %add3A_666 = arith.constant 1 : i32
        %add3A_667 = arith.addi %mul3A_630, %add3A_666 : i32
        %get3A_668 = arith.constant 1 : i32
        %get3A_669 = arith.index_cast %get3A_668 : i32 to index
        %get3A_670 = arith.index_cast %add3A_667 : i32 to index
        %get3A_671 = arith.constant 0 : index
        %get3A_672 = tpu.vector_load %arg6[%get3A_669, %get3A_670, %get3A_671] {strides = array<i32>} : memref<4x200x64xf32, #tpu.memory_space<vmem>>, vector<1x1x16xf32>,
        %get3A_673 = vector.shape_cast %get3A_672 : vector<1x1x16xf32> to vector<16xf32>
        %add3A_674 = arith.addf %add3A_638, %get3A_673 : vector<16xf32>
        %add3A_675 = arith.constant 1 : i32
        %add3A_676 = arith.addi %mul3A_630, %add3A_675 : i32
        %get3A_677 = arith.constant 1 : i32
        %get3A_678 = arith.index_cast %get3A_677 : i32 to index
        %get3A_679 = arith.index_cast %add3A_676 : i32 to index
        %get3A_680 = arith.constant 16 : index
        %get3A_681 = tpu.vector_load %arg6[%get3A_678, %get3A_679, %get3A_680] {strides = array<i32>} : memref<4x200x64xf32, #tpu.memory_space<vmem>>, vector<1x1x16xf32>,
        %get3A_682 = vector.shape_cast %get3A_681 : vector<1x1x16xf32> to vector<16xf32>
        %add3A_683 = arith.addf %add3A_647, %get3A_682 : vector<16xf32>
        %add3A_684 = arith.constant 1 : i32
        %add3A_685 = arith.addi %mul3A_630, %add3A_684 : i32
        %get3A_686 = arith.constant 1 : i32
        %get3A_687 = arith.index_cast %get3A_686 : i32 to index
        %get3A_688 = arith.index_cast %add3A_685 : i32 to index
        %get3A_689 = arith.constant 32 : index
        %get3A_690 = tpu.vector_load %arg6[%get3A_687, %get3A_688, %get3A_689] {strides = array<i32>} : memref<4x200x64xf32, #tpu.memory_space<vmem>>, vector<1x1x16xf32>,
        %get3A_691 = vector.shape_cast %get3A_690 : vector<1x1x16xf32> to vector<16xf32>
        %add3A_692 = arith.addf %add3A_656, %get3A_691 : vector<16xf32>
        %add3A_693 = arith.constant 1 : i32
        %add3A_694 = arith.addi %mul3A_630, %add3A_693 : i32
        %get3A_695 = arith.constant 1 : i32
        %get3A_696 = arith.index_cast %get3A_695 : i32 to index
        %get3A_697 = arith.index_cast %add3A_694 : i32 to index
        %get3A_698 = arith.constant 48 : index
        %get3A_699 = tpu.vector_load %arg6[%get3A_696, %get3A_697, %get3A_698] {strides = array<i32>} : memref<4x200x64xf32, #tpu.memory_space<vmem>>, vector<1x1x16xf32>,
        %get3A_700 = vector.shape_cast %get3A_699 : vector<1x1x16xf32> to vector<16xf32>
        %add3A_701 = arith.addf %add3A_665, %get3A_700 : vector<16xf32>
        %add3A_702 = arith.constant 2 : i32
        %add3A_703 = arith.addi %mul3A_630, %add3A_702 : i32
        %get3A_704 = arith.constant 1 : i32
        %get3A_705 = arith.index_cast %get3A_704 : i32 to index
        %get3A_706 = arith.index_cast %add3A_703 : i32 to index
        %get3A_707 = arith.constant 0 : index
        %get3A_708 = tpu.vector_load %arg6[%get3A_705, %get3A_706, %get3A_707] {strides = array<i32>} : memref<4x200x64xf32, #tpu.memory_space<vmem>>, vector<1x1x16xf32>,
        %get3A_709 = vector.shape_cast %get3A_708 : vector<1x1x16xf32> to vector<16xf32>
        %add3A_710 = arith.addf %add3A_674, %get3A_709 : vector<16xf32>
        %add3A_711 = arith.constant 2 : i32
        %add3A_712 = arith.addi %mul3A_630, %add3A_711 : i32
        %get3A_713 = arith.constant 1 : i32
        %get3A_714 = arith.index_cast %get3A_713 : i32 to index
        %get3A_715 = arith.index_cast %add3A_712 : i32 to index
        %get3A_716 = arith.constant 16 : index
        %get3A_717 = tpu.vector_load %arg6[%get3A_714, %get3A_715, %get3A_716] {strides = array<i32>} : memref<4x200x64xf32, #tpu.memory_space<vmem>>, vector<1x1x16xf32>,
        %get3A_718 = vector.shape_cast %get3A_717 : vector<1x1x16xf32> to vector<16xf32>
        %add3A_719 = arith.addf %add3A_683, %get3A_718 : vector<16xf32>
        %add3A_720 = arith.constant 2 : i32
        %add3A_721 = arith.addi %mul3A_630, %add3A_720 : i32
        %get3A_722 = arith.constant 1 : i32
        %get3A_723 = arith.index_cast %get3A_722 : i32 to index
        %get3A_724 = arith.index_cast %add3A_721 : i32 to index
        %get3A_725 = arith.constant 32 : index
        %get3A_726 = tpu.vector_load %arg6[%get3A_723, %get3A_724, %get3A_725] {strides = array<i32>} : memref<4x200x64xf32, #tpu.memory_space<vmem>>, vector<1x1x16xf32>,
        %get3A_727 = vector.shape_cast %get3A_726 : vector<1x1x16xf32> to vector<16xf32>
        %add3A_728 = arith.addf %add3A_692, %get3A_727 : vector<16xf32>
        %add3A_729 = arith.constant 2 : i32
        %add3A_730 = arith.addi %mul3A_630, %add3A_729 : i32
        %get3A_731 = arith.constant 1 : i32
        %get3A_732 = arith.index_cast %get3A_731 : i32 to index
        %get3A_733 = arith.index_cast %add3A_730 : i32 to index
        %get3A_734 = arith.constant 48 : index
        %get3A_735 = tpu.vector_load %arg6[%get3A_732, %get3A_733, %get3A_734] {strides = array<i32>} : memref<4x200x64xf32, #tpu.memory_space<vmem>>, vector<1x1x16xf32>,
        %get3A_736 = vector.shape_cast %get3A_735 : vector<1x1x16xf32> to vector<16xf32>
        %add3A_737 = arith.addf %add3A_701, %get3A_736 : vector<16xf32>
        %add3A_738 = arith.constant 3 : i32
        %add3A_739 = arith.addi %mul3A_630, %add3A_738 : i32
        %get3A_740 = arith.constant 1 : i32
        %get3A_741 = arith.index_cast %get3A_740 : i32 to index
        %get3A_742 = arith.index_cast %add3A_739 : i32 to index
        %get3A_743 = arith.constant 0 : index
        %get3A_744 = tpu.vector_load %arg6[%get3A_741, %get3A_742, %get3A_743] {strides = array<i32>} : memref<4x200x64xf32, #tpu.memory_space<vmem>>, vector<1x1x16xf32>,
        %get3A_745 = vector.shape_cast %get3A_744 : vector<1x1x16xf32> to vector<16xf32>
        %add3A_746 = arith.addf %add3A_710, %get3A_745 : vector<16xf32>
        %add3A_747 = arith.constant 3 : i32
        %add3A_748 = arith.addi %mul3A_630, %add3A_747 : i32
        %get3A_749 = arith.constant 1 : i32
        %get3A_750 = arith.index_cast %get3A_749 : i32 to index
        %get3A_751 = arith.index_cast %add3A_748 : i32 to index
        %get3A_752 = arith.constant 16 : index
        %get3A_753 = tpu.vector_load %arg6[%get3A_750, %get3A_751, %get3A_752] {strides = array<i32>} : memref<4x200x64xf32, #tpu.memory_space<vmem>>, vector<1x1x16xf32>,
        %get3A_754 = vector.shape_cast %get3A_753 : vector<1x1x16xf32> to vector<16xf32>
        %add3A_755 = arith.addf %add3A_719, %get3A_754 : vector<16xf32>
        %add3A_756 = arith.constant 3 : i32
        %add3A_757 = arith.addi %mul3A_630, %add3A_756 : i32
        %get3A_758 = arith.constant 1 : i32
        %get3A_759 = arith.index_cast %get3A_758 : i32 to index
        %get3A_760 = arith.index_cast %add3A_757 : i32 to index
        %get3A_761 = arith.constant 32 : index
        %get3A_762 = tpu.vector_load %arg6[%get3A_759, %get3A_760, %get3A_761] {strides = array<i32>} : memref<4x200x64xf32, #tpu.memory_space<vmem>>, vector<1x1x16xf32>,
        %get3A_763 = vector.shape_cast %get3A_762 : vector<1x1x16xf32> to vector<16xf32>
        %add3A_764 = arith.addf %add3A_728, %get3A_763 : vector<16xf32>
        %add3A_765 = arith.constant 3 : i32
        %add3A_766 = arith.addi %mul3A_630, %add3A_765 : i32
        %get3A_767 = arith.constant 1 : i32
        %get3A_768 = arith.index_cast %get3A_767 : i32 to index
        %get3A_769 = arith.index_cast %add3A_766 : i32 to index
        %get3A_770 = arith.constant 48 : index
        %get3A_771 = tpu.vector_load %arg6[%get3A_768, %get3A_769, %get3A_770] {strides = array<i32>} : memref<4x200x64xf32, #tpu.memory_space<vmem>>, vector<1x1x16xf32>,
        %get3A_772 = vector.shape_cast %get3A_771 : vector<1x1x16xf32> to vector<16xf32>
        %add3A_773 = arith.addf %add3A_737, %get3A_772 : vector<16xf32>
        scf.yield %add3A_746, %add3A_755, %add3A_764, %add3A_773 : vector<16xf32>, vector<16xf32>, vector<16xf32>, vector<16xf32>
      }
      %scan3A_424 = arith.constant 50 : i32
      %swap3A_425 = arith.index_cast %add3A_395 : i32 to index
      %swap3A_426 = arith.constant 0 : index
      %swap3A_427 = tpu.vector_load %arg7[%swap3A_425, %swap3A_426] {strides = array<i32>} : memref<128x64xf32, #tpu.memory_space<vmem>>, vector<1x16xf32>,
      %swap3A_428 = vector.shape_cast %swap3A_427 : vector<1x16xf32> to vector<16xf32>
      %swap3A_429 = vector.shape_cast %scan3A_423#0 : vector<16xf32> to vector<1x16xf32>
      tpu.vector_store %arg7[%swap3A_425, %swap3A_426], %swap3A_429 {strides = array<i32>} : memref<128x64xf32, #tpu.memory_space<vmem>>, vector<1x16xf32>,
      %swap3A_430 = arith.index_cast %add3A_395 : i32 to index
      %swap3A_431 = arith.constant 16 : index
      %swap3A_432 = tpu.vector_load %arg7[%swap3A_430, %swap3A_431] {strides = array<i32>} : memref<128x64xf32, #tpu.memory_space<vmem>>, vector<1x16xf32>,
      %swap3A_433 = vector.shape_cast %swap3A_432 : vector<1x16xf32> to vector<16xf32>
      %swap3A_434 = vector.shape_cast %scan3A_423#1 : vector<16xf32> to vector<1x16xf32>
      tpu.vector_store %arg7[%swap3A_430, %swap3A_431], %swap3A_434 {strides = array<i32>} : memref<128x64xf32, #tpu.memory_space<vmem>>, vector<1x16xf32>,
      %swap3A_435 = arith.index_cast %add3A_395 : i32 to index
      %swap3A_436 = arith.constant 32 : index
      %swap3A_437 = tpu.vector_load %arg7[%swap3A_435, %swap3A_436] {strides = array<i32>} : memref<128x64xf32, #tpu.memory_space<vmem>>, vector<1x16xf32>,
      %swap3A_438 = vector.shape_cast %swap3A_437 : vector<1x16xf32> to vector<16xf32>
      %swap3A_439 = vector.shape_cast %scan3A_423#2 : vector<16xf32> to vector<1x16xf32>
      tpu.vector_store %arg7[%swap3A_435, %swap3A_436], %swap3A_439 {strides = array<i32>} : memref<128x64xf32, #tpu.memory_space<vmem>>, vector<1x16xf32>,
      %swap3A_440 = arith.index_cast %add3A_395 : i32 to index
      %swap3A_441 = arith.constant 48 : index
      %swap3A_442 = tpu.vector_load %arg7[%swap3A_440, %swap3A_441] {strides = array<i32>} : memref<128x64xf32, #tpu.memory_space<vmem>>, vector<1x16xf32>,
      %swap3A_443 = vector.shape_cast %swap3A_442 : vector<1x16xf32> to vector<16xf32>
      %swap3A_444 = vector.shape_cast %scan3A_423#3 : vector<16xf32> to vector<1x16xf32>
      tpu.vector_store %arg7[%swap3A_440, %swap3A_441], %swap3A_444 {strides = array<i32>} : memref<128x64xf32, #tpu.memory_space<vmem>>, vector<1x16xf32>,
      %add3A_445 = arith.constant 4 : i32
      %add3A_446 = arith.addi %add3A_395, %add3A_445 : i32
      %dma_start3A_447 = arith.constant 1 : i32
      %dma_start3A_448 = arith.constant 0 : i32
      %dma_start3A_449 = arith.constant 0 : i32
      %dma_start3A_450 = tpu.memref_slice %arg6[%dma_start3A_447, %dma_start3A_448, %dma_start3A_449] : memref<4x200x64xf32, #tpu.memory_space<vmem>> -> memref<1x104x64xf32, #tpu.memory_space<vmem>>
      %dma_start3A_451 = tpu.memref_squeeze %dma_start3A_450 : memref<1x104x64xf32, #tpu.memory_space<vmem>> -> memref<104x64xf32, #tpu.memory_space<vmem>>
      %dma_start3A_452 = arith.constant 0 : i32
      %dma_start3A_453 = tpu.memref_slice %arg5[%add3A_446, %dma_start3A_452] : memref<128x200xi32, #tpu.memory_space<vmem>> -> memref<1x104xi32, #tpu.memory_space<vmem>>
      %dma_start3A_454 = tpu.memref_squeeze %dma_start3A_453 : memref<1x104xi32, #tpu.memory_space<vmem>> -> memref<104xi32, #tpu.memory_space<vmem>>
      %dma_start3A_455 = arith.constant 0 : i32
      %dma_start3A_456 = arith.constant 0 : i32
      %dma_start3A_457 = tpu.memref_slice %arg3[%dma_start3A_455, %dma_start3A_456] : memref<1015808x64xf32, #tpu.memory_space<hbm>> -> memref<1015808x64xf32, #tpu.memory_space<hbm>>
      tpu.enqueue_indirect_dma source(%dma_start3A_457 : memref<1015808x64xf32, #tpu.memory_space<hbm>>) target(%dma_start3A_451 : memref<104x64xf32, #tpu.memory_space<vmem>>) offsets(%dma_start3A_454 : memref<104xi32, #tpu.memory_space<vmem>>) semaphore(%arg9 : memref<!tpu.dma_semaphore, #tpu.memory_space<semaphore_mem>>)
      %dma_start3A_458 = arith.constant 1 : i32
      %dma_start3A_459 = arith.constant 104 : i32
      %dma_start3A_460 = arith.constant 0 : i32
      %dma_start3A_461 = tpu.memref_slice %arg6[%dma_start3A_458, %dma_start3A_459, %dma_start3A_460] : memref<4x200x64xf32, #tpu.memory_space<vmem>> -> memref<1x96x64xf32, #tpu.memory_space<vmem>>
      %dma_start3A_462 = tpu.memref_squeeze %dma_start3A_461 : memref<1x96x64xf32, #tpu.memory_space<vmem>> -> memref<96x64xf32, #tpu.memory_space<vmem>>
      %dma_start3A_463 = arith.constant 104 : i32
      %dma_start3A_464 = tpu.memref_slice %arg5[%add3A_446, %dma_start3A_463] : memref<128x200xi32, #tpu.memory_space<vmem>> -> memref<1x96xi32, #tpu.memory_space<vmem>>
      %dma_start3A_465 = tpu.memref_squeeze %dma_start3A_464 : memref<1x96xi32, #tpu.memory_space<vmem>> -> memref<96xi32, #tpu.memory_space<vmem>>
      %dma_start3A_466 = arith.constant 0 : i32
      %dma_start3A_467 = arith.constant 0 : i32
      %dma_start3A_468 = tpu.memref_slice %arg3[%dma_start3A_466, %dma_start3A_467] : memref<1015808x64xf32, #tpu.memory_space<hbm>> -> memref<1015808x64xf32, #tpu.memory_space<hbm>>
      tpu.enqueue_indirect_dma source(%dma_start3A_468 : memref<1015808x64xf32, #tpu.memory_space<hbm>>) target(%dma_start3A_462 : memref<96x64xf32, #tpu.memory_space<vmem>>) offsets(%dma_start3A_465 : memref<96xi32, #tpu.memory_space<vmem>>) semaphore(%arg9 : memref<!tpu.dma_semaphore, #tpu.memory_space<semaphore_mem>>)
      %mul3A_469 = arith.constant 4 : i32
      %mul3A_470 = arith.muli %scan3A_313, %mul3A_469 : i32
      %add3A_471 = arith.constant 2 : i32
      %add3A_472 = arith.addi %mul3A_470, %add3A_471 : i32
      %dma_wait3A_473 = arith.constant 2 : i32
      %dma_wait3A_474 = arith.constant 0 : i32
      %dma_wait3A_475 = arith.constant 0 : i32
      %dma_wait3A_476 = tpu.memref_slice %arg6[%dma_wait3A_473, %dma_wait3A_474, %dma_wait3A_475] : memref<4x200x64xf32, #tpu.memory_space<vmem>> -> memref<1x200x64xf32, #tpu.memory_space<vmem>>
      %dma_wait3A_477 = tpu.memref_squeeze %dma_wait3A_476 : memref<1x200x64xf32, #tpu.memory_space<vmem>> -> memref<200x64xf32, #tpu.memory_space<vmem>>
      %dma_wait3A_478 = arith.constant 0 : i32
      %dma_wait3A_479 = arith.constant 0 : i32
      %dma_wait3A_480 = tpu.memref_slice %arg3[%dma_wait3A_478, %dma_wait3A_479] : memref<1015808x64xf32, #tpu.memory_space<hbm>> -> memref<200x64xf32, #tpu.memory_space<hbm>>
      %dma_wait3A_481 = arith.constant 0 : i32
      %dma_wait3A_482 = arith.constant 0 : i32
      %dma_wait3A_483 = tpu.memref_slice %arg6[%dma_wait3A_473, %dma_wait3A_481, %dma_wait3A_482] : memref<4x200x64xf32, #tpu.memory_space<vmem>> -> memref<1x200x64xf32, #tpu.memory_space<vmem>>
      %dma_wait3A_484 = tpu.memref_squeeze %dma_wait3A_483 : memref<1x200x64xf32, #tpu.memory_space<vmem>> -> memref<200x64xf32, #tpu.memory_space<vmem>>
      %dma_wait3A_485 = arith.constant 0 : i32
      %dma_wait3A_486 = arith.constant 0 : i32
      %dma_wait3A_487 = tpu.memref_slice %arg3[%dma_wait3A_485, %dma_wait3A_486] : memref<1015808x64xf32, #tpu.memory_space<hbm>> -> memref<200x64xf32, #tpu.memory_space<hbm>>
      tpu.wait_dma2 semaphore(%arg10 : memref<!tpu.dma_semaphore, #tpu.memory_space<semaphore_mem>>) src(%dma_wait3A_487 : memref<200x64xf32, #tpu.memory_space<hbm>>) dst(%dma_wait3A_484 : memref<200x64xf32, #tpu.memory_space<vmem>>)
      %broadcast_in_dim3A_488 = arith.constant 0.000000e+00 : f32
      %broadcast_in_dim3A_489 = vector.broadcast %broadcast_in_dim3A_488 : f32 to vector<16xf32>
      %broadcast_in_dim3A_490 = arith.constant 0.000000e+00 : f32
      %broadcast_in_dim3A_491 = vector.broadcast %broadcast_in_dim3A_490 : f32 to vector<16xf32>
      %broadcast_in_dim3A_492 = arith.constant 0.000000e+00 : f32
      %broadcast_in_dim3A_493 = vector.broadcast %broadcast_in_dim3A_492 : f32 to vector<16xf32>
      %broadcast_in_dim3A_494 = arith.constant 0.000000e+00 : f32
      %broadcast_in_dim3A_495 = vector.broadcast %broadcast_in_dim3A_494 : f32 to vector<16xf32>
      %scan3A_496 = arith.constant 0 : i32
      %scan3A_497 = arith.constant 50 : i32
      %scan3A_498 = arith.addi %scan3A_496, %scan3A_497 : i32
      %scan3A_499 = arith.constant 1 : i32
      %scan3A_500:4 = scf.for %scan3A_624 = %scan3A_496 to %scan3A_498 step %scan3A_499 iter_args(%scan3A_625 = %broadcast_in_dim3A_489, %scan3A_626 = %broadcast_in_dim3A_491, %scan3A_627 = %broadcast_in_dim3A_493, %scan3A_628 = %broadcast_in_dim3A_495) -> (vector<16xf32>, vector<16xf32>, vector<16xf32>, vector<16xf32>)  : i32 {
        %mul3A_629 = arith.constant 4 : i32
        %mul3A_630 = arith.muli %scan3A_624, %mul3A_629 : i32
        %add3A_631 = arith.constant 0 : i32
        %add3A_632 = arith.addi %mul3A_630, %add3A_631 : i32
        %get3A = arith.constant 2 : i32
        %get3A_633 = arith.index_cast %get3A : i32 to index
        %get3A_634 = arith.index_cast %add3A_632 : i32 to index
        %get3A_635 = arith.constant 0 : index
        %get3A_636 = tpu.vector_load %arg6[%get3A_633, %get3A_634, %get3A_635] {strides = array<i32>} : memref<4x200x64xf32, #tpu.memory_space<vmem>>, vector<1x1x16xf32>,
        %get3A_637 = vector.shape_cast %get3A_636 : vector<1x1x16xf32> to vector<16xf32>
        %add3A_638 = arith.addf %scan3A_625, %get3A_637 : vector<16xf32>
        %add3A_639 = arith.constant 0 : i32
        %add3A_640 = arith.addi %mul3A_630, %add3A_639 : i32
        %get3A_641 = arith.constant 2 : i32
        %get3A_642 = arith.index_cast %get3A_641 : i32 to index
        %get3A_643 = arith.index_cast %add3A_640 : i32 to index
        %get3A_644 = arith.constant 16 : index
        %get3A_645 = tpu.vector_load %arg6[%get3A_642, %get3A_643, %get3A_644] {strides = array<i32>} : memref<4x200x64xf32, #tpu.memory_space<vmem>>, vector<1x1x16xf32>,
        %get3A_646 = vector.shape_cast %get3A_645 : vector<1x1x16xf32> to vector<16xf32>
        %add3A_647 = arith.addf %scan3A_626, %get3A_646 : vector<16xf32>
        %add3A_648 = arith.constant 0 : i32
        %add3A_649 = arith.addi %mul3A_630, %add3A_648 : i32
        %get3A_650 = arith.constant 2 : i32
        %get3A_651 = arith.index_cast %get3A_650 : i32 to index
        %get3A_652 = arith.index_cast %add3A_649 : i32 to index
        %get3A_653 = arith.constant 32 : index
        %get3A_654 = tpu.vector_load %arg6[%get3A_651, %get3A_652, %get3A_653] {strides = array<i32>} : memref<4x200x64xf32, #tpu.memory_space<vmem>>, vector<1x1x16xf32>,
        %get3A_655 = vector.shape_cast %get3A_654 : vector<1x1x16xf32> to vector<16xf32>
        %add3A_656 = arith.addf %scan3A_627, %get3A_655 : vector<16xf32>
        %add3A_657 = arith.constant 0 : i32
        %add3A_658 = arith.addi %mul3A_630, %add3A_657 : i32
        %get3A_659 = arith.constant 2 : i32
        %get3A_660 = arith.index_cast %get3A_659 : i32 to index
        %get3A_661 = arith.index_cast %add3A_658 : i32 to index
        %get3A_662 = arith.constant 48 : index
        %get3A_663 = tpu.vector_load %arg6[%get3A_660, %get3A_661, %get3A_662] {strides = array<i32>} : memref<4x200x64xf32, #tpu.memory_space<vmem>>, vector<1x1x16xf32>,
        %get3A_664 = vector.shape_cast %get3A_663 : vector<1x1x16xf32> to vector<16xf32>
        %add3A_665 = arith.addf %scan3A_628, %get3A_664 : vector<16xf32>
        %add3A_666 = arith.constant 1 : i32
        %add3A_667 = arith.addi %mul3A_630, %add3A_666 : i32
        %get3A_668 = arith.constant 2 : i32
        %get3A_669 = arith.index_cast %get3A_668 : i32 to index
        %get3A_670 = arith.index_cast %add3A_667 : i32 to index
        %get3A_671 = arith.constant 0 : index
        %get3A_672 = tpu.vector_load %arg6[%get3A_669, %get3A_670, %get3A_671] {strides = array<i32>} : memref<4x200x64xf32, #tpu.memory_space<vmem>>, vector<1x1x16xf32>,
        %get3A_673 = vector.shape_cast %get3A_672 : vector<1x1x16xf32> to vector<16xf32>
        %add3A_674 = arith.addf %add3A_638, %get3A_673 : vector<16xf32>
        %add3A_675 = arith.constant 1 : i32
        %add3A_676 = arith.addi %mul3A_630, %add3A_675 : i32
        %get3A_677 = arith.constant 2 : i32
        %get3A_678 = arith.index_cast %get3A_677 : i32 to index
        %get3A_679 = arith.index_cast %add3A_676 : i32 to index
        %get3A_680 = arith.constant 16 : index
        %get3A_681 = tpu.vector_load %arg6[%get3A_678, %get3A_679, %get3A_680] {strides = array<i32>} : memref<4x200x64xf32, #tpu.memory_space<vmem>>, vector<1x1x16xf32>,
        %get3A_682 = vector.shape_cast %get3A_681 : vector<1x1x16xf32> to vector<16xf32>
        %add3A_683 = arith.addf %add3A_647, %get3A_682 : vector<16xf32>
        %add3A_684 = arith.constant 1 : i32
        %add3A_685 = arith.addi %mul3A_630, %add3A_684 : i32
        %get3A_686 = arith.constant 2 : i32
        %get3A_687 = arith.index_cast %get3A_686 : i32 to index
        %get3A_688 = arith.index_cast %add3A_685 : i32 to index
        %get3A_689 = arith.constant 32 : index
        %get3A_690 = tpu.vector_load %arg6[%get3A_687, %get3A_688, %get3A_689] {strides = array<i32>} : memref<4x200x64xf32, #tpu.memory_space<vmem>>, vector<1x1x16xf32>,
        %get3A_691 = vector.shape_cast %get3A_690 : vector<1x1x16xf32> to vector<16xf32>
        %add3A_692 = arith.addf %add3A_656, %get3A_691 : vector<16xf32>
        %add3A_693 = arith.constant 1 : i32
        %add3A_694 = arith.addi %mul3A_630, %add3A_693 : i32
        %get3A_695 = arith.constant 2 : i32
        %get3A_696 = arith.index_cast %get3A_695 : i32 to index
        %get3A_697 = arith.index_cast %add3A_694 : i32 to index
        %get3A_698 = arith.constant 48 : index
        %get3A_699 = tpu.vector_load %arg6[%get3A_696, %get3A_697, %get3A_698] {strides = array<i32>} : memref<4x200x64xf32, #tpu.memory_space<vmem>>, vector<1x1x16xf32>,
        %get3A_700 = vector.shape_cast %get3A_699 : vector<1x1x16xf32> to vector<16xf32>
        %add3A_701 = arith.addf %add3A_665, %get3A_700 : vector<16xf32>
        %add3A_702 = arith.constant 2 : i32
        %add3A_703 = arith.addi %mul3A_630, %add3A_702 : i32
        %get3A_704 = arith.constant 2 : i32
        %get3A_705 = arith.index_cast %get3A_704 : i32 to index
        %get3A_706 = arith.index_cast %add3A_703 : i32 to index
        %get3A_707 = arith.constant 0 : index
        %get3A_708 = tpu.vector_load %arg6[%get3A_705, %get3A_706, %get3A_707] {strides = array<i32>} : memref<4x200x64xf32, #tpu.memory_space<vmem>>, vector<1x1x16xf32>,
        %get3A_709 = vector.shape_cast %get3A_708 : vector<1x1x16xf32> to vector<16xf32>
        %add3A_710 = arith.addf %add3A_674, %get3A_709 : vector<16xf32>
        %add3A_711 = arith.constant 2 : i32
        %add3A_712 = arith.addi %mul3A_630, %add3A_711 : i32
        %get3A_713 = arith.constant 2 : i32
        %get3A_714 = arith.index_cast %get3A_713 : i32 to index
        %get3A_715 = arith.index_cast %add3A_712 : i32 to index
        %get3A_716 = arith.constant 16 : index
        %get3A_717 = tpu.vector_load %arg6[%get3A_714, %get3A_715, %get3A_716] {strides = array<i32>} : memref<4x200x64xf32, #tpu.memory_space<vmem>>, vector<1x1x16xf32>,
        %get3A_718 = vector.shape_cast %get3A_717 : vector<1x1x16xf32> to vector<16xf32>
        %add3A_719 = arith.addf %add3A_683, %get3A_718 : vector<16xf32>
        %add3A_720 = arith.constant 2 : i32
        %add3A_721 = arith.addi %mul3A_630, %add3A_720 : i32
        %get3A_722 = arith.constant 2 : i32
        %get3A_723 = arith.index_cast %get3A_722 : i32 to index
        %get3A_724 = arith.index_cast %add3A_721 : i32 to index
        %get3A_725 = arith.constant 32 : index
        %get3A_726 = tpu.vector_load %arg6[%get3A_723, %get3A_724, %get3A_725] {strides = array<i32>} : memref<4x200x64xf32, #tpu.memory_space<vmem>>, vector<1x1x16xf32>,
        %get3A_727 = vector.shape_cast %get3A_726 : vector<1x1x16xf32> to vector<16xf32>
        %add3A_728 = arith.addf %add3A_692, %get3A_727 : vector<16xf32>
        %add3A_729 = arith.constant 2 : i32
        %add3A_730 = arith.addi %mul3A_630, %add3A_729 : i32
        %get3A_731 = arith.constant 2 : i32
        %get3A_732 = arith.index_cast %get3A_731 : i32 to index
        %get3A_733 = arith.index_cast %add3A_730 : i32 to index
        %get3A_734 = arith.constant 48 : index
        %get3A_735 = tpu.vector_load %arg6[%get3A_732, %get3A_733, %get3A_734] {strides = array<i32>} : memref<4x200x64xf32, #tpu.memory_space<vmem>>, vector<1x1x16xf32>,
        %get3A_736 = vector.shape_cast %get3A_735 : vector<1x1x16xf32> to vector<16xf32>
        %add3A_737 = arith.addf %add3A_701, %get3A_736 : vector<16xf32>
        %add3A_738 = arith.constant 3 : i32
        %add3A_739 = arith.addi %mul3A_630, %add3A_738 : i32
        %get3A_740 = arith.constant 2 : i32
        %get3A_741 = arith.index_cast %get3A_740 : i32 to index
        %get3A_742 = arith.index_cast %add3A_739 : i32 to index
        %get3A_743 = arith.constant 0 : index
        %get3A_744 = tpu.vector_load %arg6[%get3A_741, %get3A_742, %get3A_743] {strides = array<i32>} : memref<4x200x64xf32, #tpu.memory_space<vmem>>, vector<1x1x16xf32>,
        %get3A_745 = vector.shape_cast %get3A_744 : vector<1x1x16xf32> to vector<16xf32>
        %add3A_746 = arith.addf %add3A_710, %get3A_745 : vector<16xf32>
        %add3A_747 = arith.constant 3 : i32
        %add3A_748 = arith.addi %mul3A_630, %add3A_747 : i32
        %get3A_749 = arith.constant 2 : i32
        %get3A_750 = arith.index_cast %get3A_749 : i32 to index
        %get3A_751 = arith.index_cast %add3A_748 : i32 to index
        %get3A_752 = arith.constant 16 : index
        %get3A_753 = tpu.vector_load %arg6[%get3A_750, %get3A_751, %get3A_752] {strides = array<i32>} : memref<4x200x64xf32, #tpu.memory_space<vmem>>, vector<1x1x16xf32>,
        %get3A_754 = vector.shape_cast %get3A_753 : vector<1x1x16xf32> to vector<16xf32>
        %add3A_755 = arith.addf %add3A_719, %get3A_754 : vector<16xf32>
        %add3A_756 = arith.constant 3 : i32
        %add3A_757 = arith.addi %mul3A_630, %add3A_756 : i32
        %get3A_758 = arith.constant 2 : i32
        %get3A_759 = arith.index_cast %get3A_758 : i32 to index
        %get3A_760 = arith.index_cast %add3A_757 : i32 to index
        %get3A_761 = arith.constant 32 : index
        %get3A_762 = tpu.vector_load %arg6[%get3A_759, %get3A_760, %get3A_761] {strides = array<i32>} : memref<4x200x64xf32, #tpu.memory_space<vmem>>, vector<1x1x16xf32>,
        %get3A_763 = vector.shape_cast %get3A_762 : vector<1x1x16xf32> to vector<16xf32>
        %add3A_764 = arith.addf %add3A_728, %get3A_763 : vector<16xf32>
        %add3A_765 = arith.constant 3 : i32
        %add3A_766 = arith.addi %mul3A_630, %add3A_765 : i32
        %get3A_767 = arith.constant 2 : i32
        %get3A_768 = arith.index_cast %get3A_767 : i32 to index
        %get3A_769 = arith.index_cast %add3A_766 : i32 to index
        %get3A_770 = arith.constant 48 : index
        %get3A_771 = tpu.vector_load %arg6[%get3A_768, %get3A_769, %get3A_770] {strides = array<i32>} : memref<4x200x64xf32, #tpu.memory_space<vmem>>, vector<1x1x16xf32>,
        %get3A_772 = vector.shape_cast %get3A_771 : vector<1x1x16xf32> to vector<16xf32>
        %add3A_773 = arith.addf %add3A_737, %get3A_772 : vector<16xf32>
        scf.yield %add3A_746, %add3A_755, %add3A_764, %add3A_773 : vector<16xf32>, vector<16xf32>, vector<16xf32>, vector<16xf32>
      }
      %scan3A_501 = arith.constant 50 : i32
      %swap3A_502 = arith.index_cast %add3A_472 : i32 to index
      %swap3A_503 = arith.constant 0 : index
      %swap3A_504 = tpu.vector_load %arg7[%swap3A_502, %swap3A_503] {strides = array<i32>} : memref<128x64xf32, #tpu.memory_space<vmem>>, vector<1x16xf32>,
      %swap3A_505 = vector.shape_cast %swap3A_504 : vector<1x16xf32> to vector<16xf32>
      %swap3A_506 = vector.shape_cast %scan3A_500#0 : vector<16xf32> to vector<1x16xf32>
      tpu.vector_store %arg7[%swap3A_502, %swap3A_503], %swap3A_506 {strides = array<i32>} : memref<128x64xf32, #tpu.memory_space<vmem>>, vector<1x16xf32>,
      %swap3A_507 = arith.index_cast %add3A_472 : i32 to index
      %swap3A_508 = arith.constant 16 : index
      %swap3A_509 = tpu.vector_load %arg7[%swap3A_507, %swap3A_508] {strides = array<i32>} : memref<128x64xf32, #tpu.memory_space<vmem>>, vector<1x16xf32>,
      %swap3A_510 = vector.shape_cast %swap3A_509 : vector<1x16xf32> to vector<16xf32>
      %swap3A_511 = vector.shape_cast %scan3A_500#1 : vector<16xf32> to vector<1x16xf32>
      tpu.vector_store %arg7[%swap3A_507, %swap3A_508], %swap3A_511 {strides = array<i32>} : memref<128x64xf32, #tpu.memory_space<vmem>>, vector<1x16xf32>,
      %swap3A_512 = arith.index_cast %add3A_472 : i32 to index
      %swap3A_513 = arith.constant 32 : index
      %swap3A_514 = tpu.vector_load %arg7[%swap3A_512, %swap3A_513] {strides = array<i32>} : memref<128x64xf32, #tpu.memory_space<vmem>>, vector<1x16xf32>,
      %swap3A_515 = vector.shape_cast %swap3A_514 : vector<1x16xf32> to vector<16xf32>
      %swap3A_516 = vector.shape_cast %scan3A_500#2 : vector<16xf32> to vector<1x16xf32>
      tpu.vector_store %arg7[%swap3A_512, %swap3A_513], %swap3A_516 {strides = array<i32>} : memref<128x64xf32, #tpu.memory_space<vmem>>, vector<1x16xf32>,
      %swap3A_517 = arith.index_cast %add3A_472 : i32 to index
      %swap3A_518 = arith.constant 48 : index
      %swap3A_519 = tpu.vector_load %arg7[%swap3A_517, %swap3A_518] {strides = array<i32>} : memref<128x64xf32, #tpu.memory_space<vmem>>, vector<1x16xf32>,
      %swap3A_520 = vector.shape_cast %swap3A_519 : vector<1x16xf32> to vector<16xf32>
      %swap3A_521 = vector.shape_cast %scan3A_500#3 : vector<16xf32> to vector<1x16xf32>
      tpu.vector_store %arg7[%swap3A_517, %swap3A_518], %swap3A_521 {strides = array<i32>} : memref<128x64xf32, #tpu.memory_space<vmem>>, vector<1x16xf32>,
      %add3A_522 = arith.constant 4 : i32
      %add3A_523 = arith.addi %add3A_472, %add3A_522 : i32
      %dma_start3A_524 = arith.constant 2 : i32
      %dma_start3A_525 = arith.constant 0 : i32
      %dma_start3A_526 = arith.constant 0 : i32
      %dma_start3A_527 = tpu.memref_slice %arg6[%dma_start3A_524, %dma_start3A_525, %dma_start3A_526] : memref<4x200x64xf32, #tpu.memory_space<vmem>> -> memref<1x104x64xf32, #tpu.memory_space<vmem>>
      %dma_start3A_528 = tpu.memref_squeeze %dma_start3A_527 : memref<1x104x64xf32, #tpu.memory_space<vmem>> -> memref<104x64xf32, #tpu.memory_space<vmem>>
      %dma_start3A_529 = arith.constant 0 : i32
      %dma_start3A_530 = tpu.memref_slice %arg5[%add3A_523, %dma_start3A_529] : memref<128x200xi32, #tpu.memory_space<vmem>> -> memref<1x104xi32, #tpu.memory_space<vmem>>
      %dma_start3A_531 = tpu.memref_squeeze %dma_start3A_530 : memref<1x104xi32, #tpu.memory_space<vmem>> -> memref<104xi32, #tpu.memory_space<vmem>>
      %dma_start3A_532 = arith.constant 0 : i32
      %dma_start3A_533 = arith.constant 0 : i32
      %dma_start3A_534 = tpu.memref_slice %arg3[%dma_start3A_532, %dma_start3A_533] : memref<1015808x64xf32, #tpu.memory_space<hbm>> -> memref<1015808x64xf32, #tpu.memory_space<hbm>>
      tpu.enqueue_indirect_dma source(%dma_start3A_534 : memref<1015808x64xf32, #tpu.memory_space<hbm>>) target(%dma_start3A_528 : memref<104x64xf32, #tpu.memory_space<vmem>>) offsets(%dma_start3A_531 : memref<104xi32, #tpu.memory_space<vmem>>) semaphore(%arg10 : memref<!tpu.dma_semaphore, #tpu.memory_space<semaphore_mem>>)
      %dma_start3A_535 = arith.constant 2 : i32
      %dma_start3A_536 = arith.constant 104 : i32
      %dma_start3A_537 = arith.constant 0 : i32
      %dma_start3A_538 = tpu.memref_slice %arg6[%dma_start3A_535, %dma_start3A_536, %dma_start3A_537] : memref<4x200x64xf32, #tpu.memory_space<vmem>> -> memref<1x96x64xf32, #tpu.memory_space<vmem>>
      %dma_start3A_539 = tpu.memref_squeeze %dma_start3A_538 : memref<1x96x64xf32, #tpu.memory_space<vmem>> -> memref<96x64xf32, #tpu.memory_space<vmem>>
      %dma_start3A_540 = arith.constant 104 : i32
      %dma_start3A_541 = tpu.memref_slice %arg5[%add3A_523, %dma_start3A_540] : memref<128x200xi32, #tpu.memory_space<vmem>> -> memref<1x96xi32, #tpu.memory_space<vmem>>
      %dma_start3A_542 = tpu.memref_squeeze %dma_start3A_541 : memref<1x96xi32, #tpu.memory_space<vmem>> -> memref<96xi32, #tpu.memory_space<vmem>>
      %dma_start3A_543 = arith.constant 0 : i32
      %dma_start3A_544 = arith.constant 0 : i32
      %dma_start3A_545 = tpu.memref_slice %arg3[%dma_start3A_543, %dma_start3A_544] : memref<1015808x64xf32, #tpu.memory_space<hbm>> -> memref<1015808x64xf32, #tpu.memory_space<hbm>>
      tpu.enqueue_indirect_dma source(%dma_start3A_545 : memref<1015808x64xf32, #tpu.memory_space<hbm>>) target(%dma_start3A_539 : memref<96x64xf32, #tpu.memory_space<vmem>>) offsets(%dma_start3A_542 : memref<96xi32, #tpu.memory_space<vmem>>) semaphore(%arg10 : memref<!tpu.dma_semaphore, #tpu.memory_space<semaphore_mem>>)
      %mul3A_546 = arith.constant 4 : i32
      %mul3A_547 = arith.muli %scan3A_313, %mul3A_546 : i32
      %add3A_548 = arith.constant 3 : i32
      %add3A_549 = arith.addi %mul3A_547, %add3A_548 : i32
      %dma_wait3A_550 = arith.constant 3 : i32
      %dma_wait3A_551 = arith.constant 0 : i32
      %dma_wait3A_552 = arith.constant 0 : i32
      %dma_wait3A_553 = tpu.memref_slice %arg6[%dma_wait3A_550, %dma_wait3A_551, %dma_wait3A_552] : memref<4x200x64xf32, #tpu.memory_space<vmem>> -> memref<1x200x64xf32, #tpu.memory_space<vmem>>
      %dma_wait3A_554 = tpu.memref_squeeze %dma_wait3A_553 : memref<1x200x64xf32, #tpu.memory_space<vmem>> -> memref<200x64xf32, #tpu.memory_space<vmem>>
      %dma_wait3A_555 = arith.constant 0 : i32
      %dma_wait3A_556 = arith.constant 0 : i32
      %dma_wait3A_557 = tpu.memref_slice %arg3[%dma_wait3A_555, %dma_wait3A_556] : memref<1015808x64xf32, #tpu.memory_space<hbm>> -> memref<200x64xf32, #tpu.memory_space<hbm>>
      %dma_wait3A_558 = arith.constant 0 : i32
      %dma_wait3A_559 = arith.constant 0 : i32
      %dma_wait3A_560 = tpu.memref_slice %arg6[%dma_wait3A_550, %dma_wait3A_558, %dma_wait3A_559] : memref<4x200x64xf32, #tpu.memory_space<vmem>> -> memref<1x200x64xf32, #tpu.memory_space<vmem>>
      %dma_wait3A_561 = tpu.memref_squeeze %dma_wait3A_560 : memref<1x200x64xf32, #tpu.memory_space<vmem>> -> memref<200x64xf32, #tpu.memory_space<vmem>>
      %dma_wait3A_562 = arith.constant 0 : i32
      %dma_wait3A_563 = arith.constant 0 : i32
      %dma_wait3A_564 = tpu.memref_slice %arg3[%dma_wait3A_562, %dma_wait3A_563] : memref<1015808x64xf32, #tpu.memory_space<hbm>> -> memref<200x64xf32, #tpu.memory_space<hbm>>
      tpu.wait_dma2 semaphore(%arg11 : memref<!tpu.dma_semaphore, #tpu.memory_space<semaphore_mem>>) src(%dma_wait3A_564 : memref<200x64xf32, #tpu.memory_space<hbm>>) dst(%dma_wait3A_561 : memref<200x64xf32, #tpu.memory_space<vmem>>)
      %broadcast_in_dim3A_565 = arith.constant 0.000000e+00 : f32
      %broadcast_in_dim3A_566 = vector.broadcast %broadcast_in_dim3A_565 : f32 to vector<16xf32>
      %broadcast_in_dim3A_567 = arith.constant 0.000000e+00 : f32
      %broadcast_in_dim3A_568 = vector.broadcast %broadcast_in_dim3A_567 : f32 to vector<16xf32>
      %broadcast_in_dim3A_569 = arith.constant 0.000000e+00 : f32
      %broadcast_in_dim3A_570 = vector.broadcast %broadcast_in_dim3A_569 : f32 to vector<16xf32>
      %broadcast_in_dim3A_571 = arith.constant 0.000000e+00 : f32
      %broadcast_in_dim3A_572 = vector.broadcast %broadcast_in_dim3A_571 : f32 to vector<16xf32>
      %scan3A_573 = arith.constant 0 : i32
      %scan3A_574 = arith.constant 50 : i32
      %scan3A_575 = arith.addi %scan3A_573, %scan3A_574 : i32
      %scan3A_576 = arith.constant 1 : i32
      %scan3A_577:4 = scf.for %scan3A_624 = %scan3A_573 to %scan3A_575 step %scan3A_576 iter_args(%scan3A_625 = %broadcast_in_dim3A_566, %scan3A_626 = %broadcast_in_dim3A_568, %scan3A_627 = %broadcast_in_dim3A_570, %scan3A_628 = %broadcast_in_dim3A_572) -> (vector<16xf32>, vector<16xf32>, vector<16xf32>, vector<16xf32>)  : i32 {
        %mul3A_629 = arith.constant 4 : i32
        %mul3A_630 = arith.muli %scan3A_624, %mul3A_629 : i32
        %add3A_631 = arith.constant 0 : i32
        %add3A_632 = arith.addi %mul3A_630, %add3A_631 : i32
        %get3A = arith.constant 3 : i32
        %get3A_633 = arith.index_cast %get3A : i32 to index
        %get3A_634 = arith.index_cast %add3A_632 : i32 to index
        %get3A_635 = arith.constant 0 : index
        %get3A_636 = tpu.vector_load %arg6[%get3A_633, %get3A_634, %get3A_635] {strides = array<i32>} : memref<4x200x64xf32, #tpu.memory_space<vmem>>, vector<1x1x16xf32>,
        %get3A_637 = vector.shape_cast %get3A_636 : vector<1x1x16xf32> to vector<16xf32>
        %add3A_638 = arith.addf %scan3A_625, %get3A_637 : vector<16xf32>
        %add3A_639 = arith.constant 0 : i32
        %add3A_640 = arith.addi %mul3A_630, %add3A_639 : i32
        %get3A_641 = arith.constant 3 : i32
        %get3A_642 = arith.index_cast %get3A_641 : i32 to index
        %get3A_643 = arith.index_cast %add3A_640 : i32 to index
        %get3A_644 = arith.constant 16 : index
        %get3A_645 = tpu.vector_load %arg6[%get3A_642, %get3A_643, %get3A_644] {strides = array<i32>} : memref<4x200x64xf32, #tpu.memory_space<vmem>>, vector<1x1x16xf32>,
        %get3A_646 = vector.shape_cast %get3A_645 : vector<1x1x16xf32> to vector<16xf32>
        %add3A_647 = arith.addf %scan3A_626, %get3A_646 : vector<16xf32>
        %add3A_648 = arith.constant 0 : i32
        %add3A_649 = arith.addi %mul3A_630, %add3A_648 : i32
        %get3A_650 = arith.constant 3 : i32
        %get3A_651 = arith.index_cast %get3A_650 : i32 to index
        %get3A_652 = arith.index_cast %add3A_649 : i32 to index
        %get3A_653 = arith.constant 32 : index
        %get3A_654 = tpu.vector_load %arg6[%get3A_651, %get3A_652, %get3A_653] {strides = array<i32>} : memref<4x200x64xf32, #tpu.memory_space<vmem>>, vector<1x1x16xf32>,
        %get3A_655 = vector.shape_cast %get3A_654 : vector<1x1x16xf32> to vector<16xf32>
        %add3A_656 = arith.addf %scan3A_627, %get3A_655 : vector<16xf32>
        %add3A_657 = arith.constant 0 : i32
        %add3A_658 = arith.addi %mul3A_630, %add3A_657 : i32
        %get3A_659 = arith.constant 3 : i32
        %get3A_660 = arith.index_cast %get3A_659 : i32 to index
        %get3A_661 = arith.index_cast %add3A_658 : i32 to index
        %get3A_662 = arith.constant 48 : index
        %get3A_663 = tpu.vector_load %arg6[%get3A_660, %get3A_661, %get3A_662] {strides = array<i32>} : memref<4x200x64xf32, #tpu.memory_space<vmem>>, vector<1x1x16xf32>,
        %get3A_664 = vector.shape_cast %get3A_663 : vector<1x1x16xf32> to vector<16xf32>
        %add3A_665 = arith.addf %scan3A_628, %get3A_664 : vector<16xf32>
        %add3A_666 = arith.constant 1 : i32
        %add3A_667 = arith.addi %mul3A_630, %add3A_666 : i32
        %get3A_668 = arith.constant 3 : i32
        %get3A_669 = arith.index_cast %get3A_668 : i32 to index
        %get3A_670 = arith.index_cast %add3A_667 : i32 to index
        %get3A_671 = arith.constant 0 : index
        %get3A_672 = tpu.vector_load %arg6[%get3A_669, %get3A_670, %get3A_671] {strides = array<i32>} : memref<4x200x64xf32, #tpu.memory_space<vmem>>, vector<1x1x16xf32>,
        %get3A_673 = vector.shape_cast %get3A_672 : vector<1x1x16xf32> to vector<16xf32>
        %add3A_674 = arith.addf %add3A_638, %get3A_673 : vector<16xf32>
        %add3A_675 = arith.constant 1 : i32
        %add3A_676 = arith.addi %mul3A_630, %add3A_675 : i32
        %get3A_677 = arith.constant 3 : i32
        %get3A_678 = arith.index_cast %get3A_677 : i32 to index
        %get3A_679 = arith.index_cast %add3A_676 : i32 to index
        %get3A_680 = arith.constant 16 : index
        %get3A_681 = tpu.vector_load %arg6[%get3A_678, %get3A_679, %get3A_680] {strides = array<i32>} : memref<4x200x64xf32, #tpu.memory_space<vmem>>, vector<1x1x16xf32>,
        %get3A_682 = vector.shape_cast %get3A_681 : vector<1x1x16xf32> to vector<16xf32>
        %add3A_683 = arith.addf %add3A_647, %get3A_682 : vector<16xf32>
        %add3A_684 = arith.constant 1 : i32
        %add3A_685 = arith.addi %mul3A_630, %add3A_684 : i32
        %get3A_686 = arith.constant 3 : i32
        %get3A_687 = arith.index_cast %get3A_686 : i32 to index
        %get3A_688 = arith.index_cast %add3A_685 : i32 to index
        %get3A_689 = arith.constant 32 : index
        %get3A_690 = tpu.vector_load %arg6[%get3A_687, %get3A_688, %get3A_689] {strides = array<i32>} : memref<4x200x64xf32, #tpu.memory_space<vmem>>, vector<1x1x16xf32>,
        %get3A_691 = vector.shape_cast %get3A_690 : vector<1x1x16xf32> to vector<16xf32>
        %add3A_692 = arith.addf %add3A_656, %get3A_691 : vector<16xf32>
        %add3A_693 = arith.constant 1 : i32
        %add3A_694 = arith.addi %mul3A_630, %add3A_693 : i32
        %get3A_695 = arith.constant 3 : i32
        %get3A_696 = arith.index_cast %get3A_695 : i32 to index
        %get3A_697 = arith.index_cast %add3A_694 : i32 to index
        %get3A_698 = arith.constant 48 : index
        %get3A_699 = tpu.vector_load %arg6[%get3A_696, %get3A_697, %get3A_698] {strides = array<i32>} : memref<4x200x64xf32, #tpu.memory_space<vmem>>, vector<1x1x16xf32>,
        %get3A_700 = vector.shape_cast %get3A_699 : vector<1x1x16xf32> to vector<16xf32>
        %add3A_701 = arith.addf %add3A_665, %get3A_700 : vector<16xf32>
        %add3A_702 = arith.constant 2 : i32
        %add3A_703 = arith.addi %mul3A_630, %add3A_702 : i32
        %get3A_704 = arith.constant 3 : i32
        %get3A_705 = arith.index_cast %get3A_704 : i32 to index
        %get3A_706 = arith.index_cast %add3A_703 : i32 to index
        %get3A_707 = arith.constant 0 : index
        %get3A_708 = tpu.vector_load %arg6[%get3A_705, %get3A_706, %get3A_707] {strides = array<i32>} : memref<4x200x64xf32, #tpu.memory_space<vmem>>, vector<1x1x16xf32>,
        %get3A_709 = vector.shape_cast %get3A_708 : vector<1x1x16xf32> to vector<16xf32>
        %add3A_710 = arith.addf %add3A_674, %get3A_709 : vector<16xf32>
        %add3A_711 = arith.constant 2 : i32
        %add3A_712 = arith.addi %mul3A_630, %add3A_711 : i32
        %get3A_713 = arith.constant 3 : i32
        %get3A_714 = arith.index_cast %get3A_713 : i32 to index
        %get3A_715 = arith.index_cast %add3A_712 : i32 to index
        %get3A_716 = arith.constant 16 : index
        %get3A_717 = tpu.vector_load %arg6[%get3A_714, %get3A_715, %get3A_716] {strides = array<i32>} : memref<4x200x64xf32, #tpu.memory_space<vmem>>, vector<1x1x16xf32>,
        %get3A_718 = vector.shape_cast %get3A_717 : vector<1x1x16xf32> to vector<16xf32>
        %add3A_719 = arith.addf %add3A_683, %get3A_718 : vector<16xf32>
        %add3A_720 = arith.constant 2 : i32
        %add3A_721 = arith.addi %mul3A_630, %add3A_720 : i32
        %get3A_722 = arith.constant 3 : i32
        %get3A_723 = arith.index_cast %get3A_722 : i32 to index
        %get3A_724 = arith.index_cast %add3A_721 : i32 to index
        %get3A_725 = arith.constant 32 : index
        %get3A_726 = tpu.vector_load %arg6[%get3A_723, %get3A_724, %get3A_725] {strides = array<i32>} : memref<4x200x64xf32, #tpu.memory_space<vmem>>, vector<1x1x16xf32>,
        %get3A_727 = vector.shape_cast %get3A_726 : vector<1x1x16xf32> to vector<16xf32>
        %add3A_728 = arith.addf %add3A_692, %get3A_727 : vector<16xf32>
        %add3A_729 = arith.constant 2 : i32
        %add3A_730 = arith.addi %mul3A_630, %add3A_729 : i32
        %get3A_731 = arith.constant 3 : i32
        %get3A_732 = arith.index_cast %get3A_731 : i32 to index
        %get3A_733 = arith.index_cast %add3A_730 : i32 to index
        %get3A_734 = arith.constant 48 : index
        %get3A_735 = tpu.vector_load %arg6[%get3A_732, %get3A_733, %get3A_734] {strides = array<i32>} : memref<4x200x64xf32, #tpu.memory_space<vmem>>, vector<1x1x16xf32>,
        %get3A_736 = vector.shape_cast %get3A_735 : vector<1x1x16xf32> to vector<16xf32>
        %add3A_737 = arith.addf %add3A_701, %get3A_736 : vector<16xf32>
        %add3A_738 = arith.constant 3 : i32
        %add3A_739 = arith.addi %mul3A_630, %add3A_738 : i32
        %get3A_740 = arith.constant 3 : i32
        %get3A_741 = arith.index_cast %get3A_740 : i32 to index
        %get3A_742 = arith.index_cast %add3A_739 : i32 to index
        %get3A_743 = arith.constant 0 : index
        %get3A_744 = tpu.vector_load %arg6[%get3A_741, %get3A_742, %get3A_743] {strides = array<i32>} : memref<4x200x64xf32, #tpu.memory_space<vmem>>, vector<1x1x16xf32>,
        %get3A_745 = vector.shape_cast %get3A_744 : vector<1x1x16xf32> to vector<16xf32>
        %add3A_746 = arith.addf %add3A_710, %get3A_745 : vector<16xf32>
        %add3A_747 = arith.constant 3 : i32
        %add3A_748 = arith.addi %mul3A_630, %add3A_747 : i32
        %get3A_749 = arith.constant 3 : i32
        %get3A_750 = arith.index_cast %get3A_749 : i32 to index
        %get3A_751 = arith.index_cast %add3A_748 : i32 to index
        %get3A_752 = arith.constant 16 : index
        %get3A_753 = tpu.vector_load %arg6[%get3A_750, %get3A_751, %get3A_752] {strides = array<i32>} : memref<4x200x64xf32, #tpu.memory_space<vmem>>, vector<1x1x16xf32>,
        %get3A_754 = vector.shape_cast %get3A_753 : vector<1x1x16xf32> to vector<16xf32>
        %add3A_755 = arith.addf %add3A_719, %get3A_754 : vector<16xf32>
        %add3A_756 = arith.constant 3 : i32
        %add3A_757 = arith.addi %mul3A_630, %add3A_756 : i32
        %get3A_758 = arith.constant 3 : i32
        %get3A_759 = arith.index_cast %get3A_758 : i32 to index
        %get3A_760 = arith.index_cast %add3A_757 : i32 to index
        %get3A_761 = arith.constant 32 : index
        %get3A_762 = tpu.vector_load %arg6[%get3A_759, %get3A_760, %get3A_761] {strides = array<i32>} : memref<4x200x64xf32, #tpu.memory_space<vmem>>, vector<1x1x16xf32>,
        %get3A_763 = vector.shape_cast %get3A_762 : vector<1x1x16xf32> to vector<16xf32>
        %add3A_764 = arith.addf %add3A_728, %get3A_763 : vector<16xf32>
        %add3A_765 = arith.constant 3 : i32
        %add3A_766 = arith.addi %mul3A_630, %add3A_765 : i32
        %get3A_767 = arith.constant 3 : i32
        %get3A_768 = arith.index_cast %get3A_767 : i32 to index
        %get3A_769 = arith.index_cast %add3A_766 : i32 to index
        %get3A_770 = arith.constant 48 : index
        %get3A_771 = tpu.vector_load %arg6[%get3A_768, %get3A_769, %get3A_770] {strides = array<i32>} : memref<4x200x64xf32, #tpu.memory_space<vmem>>, vector<1x1x16xf32>,
        %get3A_772 = vector.shape_cast %get3A_771 : vector<1x1x16xf32> to vector<16xf32>
        %add3A_773 = arith.addf %add3A_737, %get3A_772 : vector<16xf32>
        scf.yield %add3A_746, %add3A_755, %add3A_764, %add3A_773 : vector<16xf32>, vector<16xf32>, vector<16xf32>, vector<16xf32>
      }
      %scan3A_578 = arith.constant 50 : i32
      %swap3A_579 = arith.index_cast %add3A_549 : i32 to index
      %swap3A_580 = arith.constant 0 : index
      %swap3A_581 = tpu.vector_load %arg7[%swap3A_579, %swap3A_580] {strides = array<i32>} : memref<128x64xf32, #tpu.memory_space<vmem>>, vector<1x16xf32>,
      %swap3A_582 = vector.shape_cast %swap3A_581 : vector<1x16xf32> to vector<16xf32>
      %swap3A_583 = vector.shape_cast %scan3A_577#0 : vector<16xf32> to vector<1x16xf32>
      tpu.vector_store %arg7[%swap3A_579, %swap3A_580], %swap3A_583 {strides = array<i32>} : memref<128x64xf32, #tpu.memory_space<vmem>>, vector<1x16xf32>,
      %swap3A_584 = arith.index_cast %add3A_549 : i32 to index
      %swap3A_585 = arith.constant 16 : index
      %swap3A_586 = tpu.vector_load %arg7[%swap3A_584, %swap3A_585] {strides = array<i32>} : memref<128x64xf32, #tpu.memory_space<vmem>>, vector<1x16xf32>,
      %swap3A_587 = vector.shape_cast %swap3A_586 : vector<1x16xf32> to vector<16xf32>
      %swap3A_588 = vector.shape_cast %scan3A_577#1 : vector<16xf32> to vector<1x16xf32>
      tpu.vector_store %arg7[%swap3A_584, %swap3A_585], %swap3A_588 {strides = array<i32>} : memref<128x64xf32, #tpu.memory_space<vmem>>, vector<1x16xf32>,
      %swap3A_589 = arith.index_cast %add3A_549 : i32 to index
      %swap3A_590 = arith.constant 32 : index
      %swap3A_591 = tpu.vector_load %arg7[%swap3A_589, %swap3A_590] {strides = array<i32>} : memref<128x64xf32, #tpu.memory_space<vmem>>, vector<1x16xf32>,
      %swap3A_592 = vector.shape_cast %swap3A_591 : vector<1x16xf32> to vector<16xf32>
      %swap3A_593 = vector.shape_cast %scan3A_577#2 : vector<16xf32> to vector<1x16xf32>
      tpu.vector_store %arg7[%swap3A_589, %swap3A_590], %swap3A_593 {strides = array<i32>} : memref<128x64xf32, #tpu.memory_space<vmem>>, vector<1x16xf32>,
      %swap3A_594 = arith.index_cast %add3A_549 : i32 to index
      %swap3A_595 = arith.constant 48 : index
      %swap3A_596 = tpu.vector_load %arg7[%swap3A_594, %swap3A_595] {strides = array<i32>} : memref<128x64xf32, #tpu.memory_space<vmem>>, vector<1x16xf32>,
      %swap3A_597 = vector.shape_cast %swap3A_596 : vector<1x16xf32> to vector<16xf32>
      %swap3A_598 = vector.shape_cast %scan3A_577#3 : vector<16xf32> to vector<1x16xf32>
      tpu.vector_store %arg7[%swap3A_594, %swap3A_595], %swap3A_598 {strides = array<i32>} : memref<128x64xf32, #tpu.memory_space<vmem>>, vector<1x16xf32>,
      %add3A_599 = arith.constant 4 : i32
      %add3A_600 = arith.addi %add3A_549, %add3A_599 : i32
      %dma_start3A_601 = arith.constant 3 : i32
      %dma_start3A_602 = arith.constant 0 : i32
      %dma_start3A_603 = arith.constant 0 : i32
      %dma_start3A_604 = tpu.memref_slice %arg6[%dma_start3A_601, %dma_start3A_602, %dma_start3A_603] : memref<4x200x64xf32, #tpu.memory_space<vmem>> -> memref<1x104x64xf32, #tpu.memory_space<vmem>>
      %dma_start3A_605 = tpu.memref_squeeze %dma_start3A_604 : memref<1x104x64xf32, #tpu.memory_space<vmem>> -> memref<104x64xf32, #tpu.memory_space<vmem>>
      %dma_start3A_606 = arith.constant 0 : i32
      %dma_start3A_607 = tpu.memref_slice %arg5[%add3A_600, %dma_start3A_606] : memref<128x200xi32, #tpu.memory_space<vmem>> -> memref<1x104xi32, #tpu.memory_space<vmem>>
      %dma_start3A_608 = tpu.memref_squeeze %dma_start3A_607 : memref<1x104xi32, #tpu.memory_space<vmem>> -> memref<104xi32, #tpu.memory_space<vmem>>
      %dma_start3A_609 = arith.constant 0 : i32
      %dma_start3A_610 = arith.constant 0 : i32
      %dma_start3A_611 = tpu.memref_slice %arg3[%dma_start3A_609, %dma_start3A_610] : memref<1015808x64xf32, #tpu.memory_space<hbm>> -> memref<1015808x64xf32, #tpu.memory_space<hbm>>
      tpu.enqueue_indirect_dma source(%dma_start3A_611 : memref<1015808x64xf32, #tpu.memory_space<hbm>>) target(%dma_start3A_605 : memref<104x64xf32, #tpu.memory_space<vmem>>) offsets(%dma_start3A_608 : memref<104xi32, #tpu.memory_space<vmem>>) semaphore(%arg11 : memref<!tpu.dma_semaphore, #tpu.memory_space<semaphore_mem>>)
      %dma_start3A_612 = arith.constant 3 : i32
      %dma_start3A_613 = arith.constant 104 : i32
      %dma_start3A_614 = arith.constant 0 : i32
      %dma_start3A_615 = tpu.memref_slice %arg6[%dma_start3A_612, %dma_start3A_613, %dma_start3A_614] : memref<4x200x64xf32, #tpu.memory_space<vmem>> -> memref<1x96x64xf32, #tpu.memory_space<vmem>>
      %dma_start3A_616 = tpu.memref_squeeze %dma_start3A_615 : memref<1x96x64xf32, #tpu.memory_space<vmem>> -> memref<96x64xf32, #tpu.memory_space<vmem>>
      %dma_start3A_617 = arith.constant 104 : i32
      %dma_start3A_618 = tpu.memref_slice %arg5[%add3A_600, %dma_start3A_617] : memref<128x200xi32, #tpu.memory_space<vmem>> -> memref<1x96xi32, #tpu.memory_space<vmem>>
      %dma_start3A_619 = tpu.memref_squeeze %dma_start3A_618 : memref<1x96xi32, #tpu.memory_space<vmem>> -> memref<96xi32, #tpu.memory_space<vmem>>
      %dma_start3A_620 = arith.constant 0 : i32
      %dma_start3A_621 = arith.constant 0 : i32
      %dma_start3A_622 = tpu.memref_slice %arg3[%dma_start3A_620, %dma_start3A_621] : memref<1015808x64xf32, #tpu.memory_space<hbm>> -> memref<1015808x64xf32, #tpu.memory_space<hbm>>
      tpu.enqueue_indirect_dma source(%dma_start3A_622 : memref<1015808x64xf32, #tpu.memory_space<hbm>>) target(%dma_start3A_616 : memref<96x64xf32, #tpu.memory_space<vmem>>) offsets(%dma_start3A_619 : memref<96xi32, #tpu.memory_space<vmem>>) semaphore(%arg11 : memref<!tpu.dma_semaphore, #tpu.memory_space<semaphore_mem>>)
      %scan3A_623 = arith.constant 0 : i32
      scf.yield %scan3A_623 : i32
    }
    %scan3A_103 = arith.constant 31 : i32
    %dma_wait3A = arith.constant 0 : i32
    %dma_wait3A_104 = arith.constant 0 : i32
    %dma_wait3A_105 = arith.constant 0 : i32
    %dma_wait3A_106 = tpu.memref_slice %arg6[%dma_wait3A, %dma_wait3A_104, %dma_wait3A_105] : memref<4x200x64xf32, #tpu.memory_space<vmem>> -> memref<1x200x64xf32, #tpu.memory_space<vmem>>
    %dma_wait3A_107 = tpu.memref_squeeze %dma_wait3A_106 : memref<1x200x64xf32, #tpu.memory_space<vmem>> -> memref<200x64xf32, #tpu.memory_space<vmem>>
    %dma_wait3A_108 = arith.constant 0 : i32
    %dma_wait3A_109 = arith.constant 0 : i32
    %dma_wait3A_110 = tpu.memref_slice %arg3[%dma_wait3A_108, %dma_wait3A_109] : memref<1015808x64xf32, #tpu.memory_space<hbm>> -> memref<200x64xf32, #tpu.memory_space<hbm>>
    %dma_wait3A_111 = arith.constant 0 : i32
    %dma_wait3A_112 = arith.constant 0 : i32
    %dma_wait3A_113 = tpu.memref_slice %arg6[%dma_wait3A, %dma_wait3A_111, %dma_wait3A_112] : memref<4x200x64xf32, #tpu.memory_space<vmem>> -> memref<1x200x64xf32, #tpu.memory_space<vmem>>
    %dma_wait3A_114 = tpu.memref_squeeze %dma_wait3A_113 : memref<1x200x64xf32, #tpu.memory_space<vmem>> -> memref<200x64xf32, #tpu.memory_space<vmem>>
    %dma_wait3A_115 = arith.constant 0 : i32
    %dma_wait3A_116 = arith.constant 0 : i32
    %dma_wait3A_117 = tpu.memref_slice %arg3[%dma_wait3A_115, %dma_wait3A_116] : memref<1015808x64xf32, #tpu.memory_space<hbm>> -> memref<200x64xf32, #tpu.memory_space<hbm>>
    tpu.wait_dma2 semaphore(%arg8 : memref<!tpu.dma_semaphore, #tpu.memory_space<semaphore_mem>>) src(%dma_wait3A_117 : memref<200x64xf32, #tpu.memory_space<hbm>>) dst(%dma_wait3A_114 : memref<200x64xf32, #tpu.memory_space<vmem>>)
    %broadcast_in_dim3A = arith.constant 0.000000e+00 : f32
    %broadcast_in_dim3A_118 = vector.broadcast %broadcast_in_dim3A : f32 to vector<16xf32>
    %broadcast_in_dim3A_119 = arith.constant 0.000000e+00 : f32
    %broadcast_in_dim3A_120 = vector.broadcast %broadcast_in_dim3A_119 : f32 to vector<16xf32>
    %broadcast_in_dim3A_121 = arith.constant 0.000000e+00 : f32
    %broadcast_in_dim3A_122 = vector.broadcast %broadcast_in_dim3A_121 : f32 to vector<16xf32>
    %broadcast_in_dim3A_123 = arith.constant 0.000000e+00 : f32
    %broadcast_in_dim3A_124 = vector.broadcast %broadcast_in_dim3A_123 : f32 to vector<16xf32>
    %scan3A_125 = arith.constant 0 : i32
    %scan3A_126 = arith.constant 50 : i32
    %scan3A_127 = arith.addi %scan3A_125, %scan3A_126 : i32
    %scan3A_128 = arith.constant 1 : i32
    %scan3A_129:4 = scf.for %scan3A_313 = %scan3A_125 to %scan3A_127 step %scan3A_128 iter_args(%scan3A_314 = %broadcast_in_dim3A_118, %scan3A_315 = %broadcast_in_dim3A_120, %scan3A_316 = %broadcast_in_dim3A_122, %scan3A_317 = %broadcast_in_dim3A_124) -> (vector<16xf32>, vector<16xf32>, vector<16xf32>, vector<16xf32>)  : i32 {
      %mul3A_318 = arith.constant 4 : i32
      %mul3A_319 = arith.muli %scan3A_313, %mul3A_318 : i32
      %add3A_320 = arith.constant 0 : i32
      %add3A_321 = arith.addi %mul3A_319, %add3A_320 : i32
      %get3A = arith.constant 0 : i32
      %get3A_322 = arith.index_cast %get3A : i32 to index
      %get3A_323 = arith.index_cast %add3A_321 : i32 to index
      %get3A_324 = arith.constant 0 : index
      %get3A_325 = tpu.vector_load %arg6[%get3A_322, %get3A_323, %get3A_324] {strides = array<i32>} : memref<4x200x64xf32, #tpu.memory_space<vmem>>, vector<1x1x16xf32>,
      %get3A_326 = vector.shape_cast %get3A_325 : vector<1x1x16xf32> to vector<16xf32>
      %add3A_327 = arith.addf %scan3A_314, %get3A_326 : vector<16xf32>
      %add3A_328 = arith.constant 0 : i32
      %add3A_329 = arith.addi %mul3A_319, %add3A_328 : i32
      %get3A_330 = arith.constant 0 : i32
      %get3A_331 = arith.index_cast %get3A_330 : i32 to index
      %get3A_332 = arith.index_cast %add3A_329 : i32 to index
      %get3A_333 = arith.constant 16 : index
      %get3A_334 = tpu.vector_load %arg6[%get3A_331, %get3A_332, %get3A_333] {strides = array<i32>} : memref<4x200x64xf32, #tpu.memory_space<vmem>>, vector<1x1x16xf32>,
      %get3A_335 = vector.shape_cast %get3A_334 : vector<1x1x16xf32> to vector<16xf32>
      %add3A_336 = arith.addf %scan3A_315, %get3A_335 : vector<16xf32>
      %add3A_337 = arith.constant 0 : i32
      %add3A_338 = arith.addi %mul3A_319, %add3A_337 : i32
      %get3A_339 = arith.constant 0 : i32
      %get3A_340 = arith.index_cast %get3A_339 : i32 to index
      %get3A_341 = arith.index_cast %add3A_338 : i32 to index
      %get3A_342 = arith.constant 32 : index
      %get3A_343 = tpu.vector_load %arg6[%get3A_340, %get3A_341, %get3A_342] {strides = array<i32>} : memref<4x200x64xf32, #tpu.memory_space<vmem>>, vector<1x1x16xf32>,
      %get3A_344 = vector.shape_cast %get3A_343 : vector<1x1x16xf32> to vector<16xf32>
      %add3A_345 = arith.addf %scan3A_316, %get3A_344 : vector<16xf32>
      %add3A_346 = arith.constant 0 : i32
      %add3A_347 = arith.addi %mul3A_319, %add3A_346 : i32
      %get3A_348 = arith.constant 0 : i32
      %get3A_349 = arith.index_cast %get3A_348 : i32 to index
      %get3A_350 = arith.index_cast %add3A_347 : i32 to index
      %get3A_351 = arith.constant 48 : index
      %get3A_352 = tpu.vector_load %arg6[%get3A_349, %get3A_350, %get3A_351] {strides = array<i32>} : memref<4x200x64xf32, #tpu.memory_space<vmem>>, vector<1x1x16xf32>,
      %get3A_353 = vector.shape_cast %get3A_352 : vector<1x1x16xf32> to vector<16xf32>
      %add3A_354 = arith.addf %scan3A_317, %get3A_353 : vector<16xf32>
      %add3A_355 = arith.constant 1 : i32
      %add3A_356 = arith.addi %mul3A_319, %add3A_355 : i32
      %get3A_357 = arith.constant 0 : i32
      %get3A_358 = arith.index_cast %get3A_357 : i32 to index
      %get3A_359 = arith.index_cast %add3A_356 : i32 to index
      %get3A_360 = arith.constant 0 : index
      %get3A_361 = tpu.vector_load %arg6[%get3A_358, %get3A_359, %get3A_360] {strides = array<i32>} : memref<4x200x64xf32, #tpu.memory_space<vmem>>, vector<1x1x16xf32>,
      %get3A_362 = vector.shape_cast %get3A_361 : vector<1x1x16xf32> to vector<16xf32>
      %add3A_363 = arith.addf %add3A_327, %get3A_362 : vector<16xf32>
      %add3A_364 = arith.constant 1 : i32
      %add3A_365 = arith.addi %mul3A_319, %add3A_364 : i32
      %get3A_366 = arith.constant 0 : i32
      %get3A_367 = arith.index_cast %get3A_366 : i32 to index
      %get3A_368 = arith.index_cast %add3A_365 : i32 to index
      %get3A_369 = arith.constant 16 : index
      %get3A_370 = tpu.vector_load %arg6[%get3A_367, %get3A_368, %get3A_369] {strides = array<i32>} : memref<4x200x64xf32, #tpu.memory_space<vmem>>, vector<1x1x16xf32>,
      %get3A_371 = vector.shape_cast %get3A_370 : vector<1x1x16xf32> to vector<16xf32>
      %add3A_372 = arith.addf %add3A_336, %get3A_371 : vector<16xf32>
      %add3A_373 = arith.constant 1 : i32
      %add3A_374 = arith.addi %mul3A_319, %add3A_373 : i32
      %get3A_375 = arith.constant 0 : i32
      %get3A_376 = arith.index_cast %get3A_375 : i32 to index
      %get3A_377 = arith.index_cast %add3A_374 : i32 to index
      %get3A_378 = arith.constant 32 : index
      %get3A_379 = tpu.vector_load %arg6[%get3A_376, %get3A_377, %get3A_378] {strides = array<i32>} : memref<4x200x64xf32, #tpu.memory_space<vmem>>, vector<1x1x16xf32>,
      %get3A_380 = vector.shape_cast %get3A_379 : vector<1x1x16xf32> to vector<16xf32>
      %add3A_381 = arith.addf %add3A_345, %get3A_380 : vector<16xf32>
      %add3A_382 = arith.constant 1 : i32
      %add3A_383 = arith.addi %mul3A_319, %add3A_382 : i32
      %get3A_384 = arith.constant 0 : i32
      %get3A_385 = arith.index_cast %get3A_384 : i32 to index
      %get3A_386 = arith.index_cast %add3A_383 : i32 to index
      %get3A_387 = arith.constant 48 : index
      %get3A_388 = tpu.vector_load %arg6[%get3A_385, %get3A_386, %get3A_387] {strides = array<i32>} : memref<4x200x64xf32, #tpu.memory_space<vmem>>, vector<1x1x16xf32>,
      %get3A_389 = vector.shape_cast %get3A_388 : vector<1x1x16xf32> to vector<16xf32>
      %add3A_390 = arith.addf %add3A_354, %get3A_389 : vector<16xf32>
      %add3A_391 = arith.constant 2 : i32
      %add3A_392 = arith.addi %mul3A_319, %add3A_391 : i32
      %get3A_393 = arith.constant 0 : i32
      %get3A_394 = arith.index_cast %get3A_393 : i32 to index
      %get3A_395 = arith.index_cast %add3A_392 : i32 to index
      %get3A_396 = arith.constant 0 : index
      %get3A_397 = tpu.vector_load %arg6[%get3A_394, %get3A_395, %get3A_396] {strides = array<i32>} : memref<4x200x64xf32, #tpu.memory_space<vmem>>, vector<1x1x16xf32>,
      %get3A_398 = vector.shape_cast %get3A_397 : vector<1x1x16xf32> to vector<16xf32>
      %add3A_399 = arith.addf %add3A_363, %get3A_398 : vector<16xf32>
      %add3A_400 = arith.constant 2 : i32
      %add3A_401 = arith.addi %mul3A_319, %add3A_400 : i32
      %get3A_402 = arith.constant 0 : i32
      %get3A_403 = arith.index_cast %get3A_402 : i32 to index
      %get3A_404 = arith.index_cast %add3A_401 : i32 to index
      %get3A_405 = arith.constant 16 : index
      %get3A_406 = tpu.vector_load %arg6[%get3A_403, %get3A_404, %get3A_405] {strides = array<i32>} : memref<4x200x64xf32, #tpu.memory_space<vmem>>, vector<1x1x16xf32>,
      %get3A_407 = vector.shape_cast %get3A_406 : vector<1x1x16xf32> to vector<16xf32>
      %add3A_408 = arith.addf %add3A_372, %get3A_407 : vector<16xf32>
      %add3A_409 = arith.constant 2 : i32
      %add3A_410 = arith.addi %mul3A_319, %add3A_409 : i32
      %get3A_411 = arith.constant 0 : i32
      %get3A_412 = arith.index_cast %get3A_411 : i32 to index
      %get3A_413 = arith.index_cast %add3A_410 : i32 to index
      %get3A_414 = arith.constant 32 : index
      %get3A_415 = tpu.vector_load %arg6[%get3A_412, %get3A_413, %get3A_414] {strides = array<i32>} : memref<4x200x64xf32, #tpu.memory_space<vmem>>, vector<1x1x16xf32>,
      %get3A_416 = vector.shape_cast %get3A_415 : vector<1x1x16xf32> to vector<16xf32>
      %add3A_417 = arith.addf %add3A_381, %get3A_416 : vector<16xf32>
      %add3A_418 = arith.constant 2 : i32
      %add3A_419 = arith.addi %mul3A_319, %add3A_418 : i32
      %get3A_420 = arith.constant 0 : i32
      %get3A_421 = arith.index_cast %get3A_420 : i32 to index
      %get3A_422 = arith.index_cast %add3A_419 : i32 to index
      %get3A_423 = arith.constant 48 : index
      %get3A_424 = tpu.vector_load %arg6[%get3A_421, %get3A_422, %get3A_423] {strides = array<i32>} : memref<4x200x64xf32, #tpu.memory_space<vmem>>, vector<1x1x16xf32>,
      %get3A_425 = vector.shape_cast %get3A_424 : vector<1x1x16xf32> to vector<16xf32>
      %add3A_426 = arith.addf %add3A_390, %get3A_425 : vector<16xf32>
      %add3A_427 = arith.constant 3 : i32
      %add3A_428 = arith.addi %mul3A_319, %add3A_427 : i32
      %get3A_429 = arith.constant 0 : i32
      %get3A_430 = arith.index_cast %get3A_429 : i32 to index
      %get3A_431 = arith.index_cast %add3A_428 : i32 to index
      %get3A_432 = arith.constant 0 : index
      %get3A_433 = tpu.vector_load %arg6[%get3A_430, %get3A_431, %get3A_432] {strides = array<i32>} : memref<4x200x64xf32, #tpu.memory_space<vmem>>, vector<1x1x16xf32>,
      %get3A_434 = vector.shape_cast %get3A_433 : vector<1x1x16xf32> to vector<16xf32>
      %add3A_435 = arith.addf %add3A_399, %get3A_434 : vector<16xf32>
      %add3A_436 = arith.constant 3 : i32
      %add3A_437 = arith.addi %mul3A_319, %add3A_436 : i32
      %get3A_438 = arith.constant 0 : i32
      %get3A_439 = arith.index_cast %get3A_438 : i32 to index
      %get3A_440 = arith.index_cast %add3A_437 : i32 to index
      %get3A_441 = arith.constant 16 : index
      %get3A_442 = tpu.vector_load %arg6[%get3A_439, %get3A_440, %get3A_441] {strides = array<i32>} : memref<4x200x64xf32, #tpu.memory_space<vmem>>, vector<1x1x16xf32>,
      %get3A_443 = vector.shape_cast %get3A_442 : vector<1x1x16xf32> to vector<16xf32>
      %add3A_444 = arith.addf %add3A_408, %get3A_443 : vector<16xf32>
      %add3A_445 = arith.constant 3 : i32
      %add3A_446 = arith.addi %mul3A_319, %add3A_445 : i32
      %get3A_447 = arith.constant 0 : i32
      %get3A_448 = arith.index_cast %get3A_447 : i32 to index
      %get3A_449 = arith.index_cast %add3A_446 : i32 to index
      %get3A_450 = arith.constant 32 : index
      %get3A_451 = tpu.vector_load %arg6[%get3A_448, %get3A_449, %get3A_450] {strides = array<i32>} : memref<4x200x64xf32, #tpu.memory_space<vmem>>, vector<1x1x16xf32>,
      %get3A_452 = vector.shape_cast %get3A_451 : vector<1x1x16xf32> to vector<16xf32>
      %add3A_453 = arith.addf %add3A_417, %get3A_452 : vector<16xf32>
      %add3A_454 = arith.constant 3 : i32
      %add3A_455 = arith.addi %mul3A_319, %add3A_454 : i32
      %get3A_456 = arith.constant 0 : i32
      %get3A_457 = arith.index_cast %get3A_456 : i32 to index
      %get3A_458 = arith.index_cast %add3A_455 : i32 to index
      %get3A_459 = arith.constant 48 : index
      %get3A_460 = tpu.vector_load %arg6[%get3A_457, %get3A_458, %get3A_459] {strides = array<i32>} : memref<4x200x64xf32, #tpu.memory_space<vmem>>, vector<1x1x16xf32>,
      %get3A_461 = vector.shape_cast %get3A_460 : vector<1x1x16xf32> to vector<16xf32>
      %add3A_462 = arith.addf %add3A_426, %get3A_461 : vector<16xf32>
      scf.yield %add3A_435, %add3A_444, %add3A_453, %add3A_462 : vector<16xf32>, vector<16xf32>, vector<16xf32>, vector<16xf32>
    }
    %scan3A_130 = arith.constant 50 : i32
    %swap3A = arith.constant 124 : i32
    %swap3A_131 = arith.index_cast %swap3A : i32 to index
    %swap3A_132 = arith.constant 0 : index
    %swap3A_133 = tpu.vector_load %arg7[%swap3A_131, %swap3A_132] {strides = array<i32>} : memref<128x64xf32, #tpu.memory_space<vmem>>, vector<1x16xf32>,
    %swap3A_134 = vector.shape_cast %swap3A_133 : vector<1x16xf32> to vector<16xf32>
    %swap3A_135 = vector.shape_cast %scan3A_129#0 : vector<16xf32> to vector<1x16xf32>
    tpu.vector_store %arg7[%swap3A_131, %swap3A_132], %swap3A_135 {strides = array<i32>} : memref<128x64xf32, #tpu.memory_space<vmem>>, vector<1x16xf32>,
    %swap3A_136 = arith.constant 124 : i32
    %swap3A_137 = arith.index_cast %swap3A_136 : i32 to index
    %swap3A_138 = arith.constant 16 : index
    %swap3A_139 = tpu.vector_load %arg7[%swap3A_137, %swap3A_138] {strides = array<i32>} : memref<128x64xf32, #tpu.memory_space<vmem>>, vector<1x16xf32>,
    %swap3A_140 = vector.shape_cast %swap3A_139 : vector<1x16xf32> to vector<16xf32>
    %swap3A_141 = vector.shape_cast %scan3A_129#1 : vector<16xf32> to vector<1x16xf32>
    tpu.vector_store %arg7[%swap3A_137, %swap3A_138], %swap3A_141 {strides = array<i32>} : memref<128x64xf32, #tpu.memory_space<vmem>>, vector<1x16xf32>,
    %swap3A_142 = arith.constant 124 : i32
    %swap3A_143 = arith.index_cast %swap3A_142 : i32 to index
    %swap3A_144 = arith.constant 32 : index
    %swap3A_145 = tpu.vector_load %arg7[%swap3A_143, %swap3A_144] {strides = array<i32>} : memref<128x64xf32, #tpu.memory_space<vmem>>, vector<1x16xf32>,
    %swap3A_146 = vector.shape_cast %swap3A_145 : vector<1x16xf32> to vector<16xf32>
    %swap3A_147 = vector.shape_cast %scan3A_129#2 : vector<16xf32> to vector<1x16xf32>
    tpu.vector_store %arg7[%swap3A_143, %swap3A_144], %swap3A_147 {strides = array<i32>} : memref<128x64xf32, #tpu.memory_space<vmem>>, vector<1x16xf32>,
    %swap3A_148 = arith.constant 124 : i32
    %swap3A_149 = arith.index_cast %swap3A_148 : i32 to index
    %swap3A_150 = arith.constant 48 : index
    %swap3A_151 = tpu.vector_load %arg7[%swap3A_149, %swap3A_150] {strides = array<i32>} : memref<128x64xf32, #tpu.memory_space<vmem>>, vector<1x16xf32>,
    %swap3A_152 = vector.shape_cast %swap3A_151 : vector<1x16xf32> to vector<16xf32>
    %swap3A_153 = vector.shape_cast %scan3A_129#3 : vector<16xf32> to vector<1x16xf32>
    tpu.vector_store %arg7[%swap3A_149, %swap3A_150], %swap3A_153 {strides = array<i32>} : memref<128x64xf32, #tpu.memory_space<vmem>>, vector<1x16xf32>,
    %dma_wait3A_154 = arith.constant 1 : i32
    %dma_wait3A_155 = arith.constant 0 : i32
    %dma_wait3A_156 = arith.constant 0 : i32
    %dma_wait3A_157 = tpu.memref_slice %arg6[%dma_wait3A_154, %dma_wait3A_155, %dma_wait3A_156] : memref<4x200x64xf32, #tpu.memory_space<vmem>> -> memref<1x200x64xf32, #tpu.memory_space<vmem>>
    %dma_wait3A_158 = tpu.memref_squeeze %dma_wait3A_157 : memref<1x200x64xf32, #tpu.memory_space<vmem>> -> memref<200x64xf32, #tpu.memory_space<vmem>>
    %dma_wait3A_159 = arith.constant 0 : i32
    %dma_wait3A_160 = arith.constant 0 : i32
    %dma_wait3A_161 = tpu.memref_slice %arg3[%dma_wait3A_159, %dma_wait3A_160] : memref<1015808x64xf32, #tpu.memory_space<hbm>> -> memref<200x64xf32, #tpu.memory_space<hbm>>
    %dma_wait3A_162 = arith.constant 0 : i32
    %dma_wait3A_163 = arith.constant 0 : i32
    %dma_wait3A_164 = tpu.memref_slice %arg6[%dma_wait3A_154, %dma_wait3A_162, %dma_wait3A_163] : memref<4x200x64xf32, #tpu.memory_space<vmem>> -> memref<1x200x64xf32, #tpu.memory_space<vmem>>
    %dma_wait3A_165 = tpu.memref_squeeze %dma_wait3A_164 : memref<1x200x64xf32, #tpu.memory_space<vmem>> -> memref<200x64xf32, #tpu.memory_space<vmem>>
    %dma_wait3A_166 = arith.constant 0 : i32
    %dma_wait3A_167 = arith.constant 0 : i32
    %dma_wait3A_168 = tpu.memref_slice %arg3[%dma_wait3A_166, %dma_wait3A_167] : memref<1015808x64xf32, #tpu.memory_space<hbm>> -> memref<200x64xf32, #tpu.memory_space<hbm>>
    tpu.wait_dma2 semaphore(%arg9 : memref<!tpu.dma_semaphore, #tpu.memory_space<semaphore_mem>>) src(%dma_wait3A_168 : memref<200x64xf32, #tpu.memory_space<hbm>>) dst(%dma_wait3A_165 : memref<200x64xf32, #tpu.memory_space<vmem>>)
    %broadcast_in_dim3A_169 = arith.constant 0.000000e+00 : f32
    %broadcast_in_dim3A_170 = vector.broadcast %broadcast_in_dim3A_169 : f32 to vector<16xf32>
    %broadcast_in_dim3A_171 = arith.constant 0.000000e+00 : f32
    %broadcast_in_dim3A_172 = vector.broadcast %broadcast_in_dim3A_171 : f32 to vector<16xf32>
    %broadcast_in_dim3A_173 = arith.constant 0.000000e+00 : f32
    %broadcast_in_dim3A_174 = vector.broadcast %broadcast_in_dim3A_173 : f32 to vector<16xf32>
    %broadcast_in_dim3A_175 = arith.constant 0.000000e+00 : f32
    %broadcast_in_dim3A_176 = vector.broadcast %broadcast_in_dim3A_175 : f32 to vector<16xf32>
    %scan3A_177 = arith.constant 0 : i32
    %scan3A_178 = arith.constant 50 : i32
    %scan3A_179 = arith.addi %scan3A_177, %scan3A_178 : i32
    %scan3A_180 = arith.constant 1 : i32
    %scan3A_181:4 = scf.for %scan3A_313 = %scan3A_177 to %scan3A_179 step %scan3A_180 iter_args(%scan3A_314 = %broadcast_in_dim3A_170, %scan3A_315 = %broadcast_in_dim3A_172, %scan3A_316 = %broadcast_in_dim3A_174, %scan3A_317 = %broadcast_in_dim3A_176) -> (vector<16xf32>, vector<16xf32>, vector<16xf32>, vector<16xf32>)  : i32 {
      %mul3A_318 = arith.constant 4 : i32
      %mul3A_319 = arith.muli %scan3A_313, %mul3A_318 : i32
      %add3A_320 = arith.constant 0 : i32
      %add3A_321 = arith.addi %mul3A_319, %add3A_320 : i32
      %get3A = arith.constant 1 : i32
      %get3A_322 = arith.index_cast %get3A : i32 to index
      %get3A_323 = arith.index_cast %add3A_321 : i32 to index
      %get3A_324 = arith.constant 0 : index
      %get3A_325 = tpu.vector_load %arg6[%get3A_322, %get3A_323, %get3A_324] {strides = array<i32>} : memref<4x200x64xf32, #tpu.memory_space<vmem>>, vector<1x1x16xf32>,
      %get3A_326 = vector.shape_cast %get3A_325 : vector<1x1x16xf32> to vector<16xf32>
      %add3A_327 = arith.addf %scan3A_314, %get3A_326 : vector<16xf32>
      %add3A_328 = arith.constant 0 : i32
      %add3A_329 = arith.addi %mul3A_319, %add3A_328 : i32
      %get3A_330 = arith.constant 1 : i32
      %get3A_331 = arith.index_cast %get3A_330 : i32 to index
      %get3A_332 = arith.index_cast %add3A_329 : i32 to index
      %get3A_333 = arith.constant 16 : index
      %get3A_334 = tpu.vector_load %arg6[%get3A_331, %get3A_332, %get3A_333] {strides = array<i32>} : memref<4x200x64xf32, #tpu.memory_space<vmem>>, vector<1x1x16xf32>,
      %get3A_335 = vector.shape_cast %get3A_334 : vector<1x1x16xf32> to vector<16xf32>
      %add3A_336 = arith.addf %scan3A_315, %get3A_335 : vector<16xf32>
      %add3A_337 = arith.constant 0 : i32
      %add3A_338 = arith.addi %mul3A_319, %add3A_337 : i32
      %get3A_339 = arith.constant 1 : i32
      %get3A_340 = arith.index_cast %get3A_339 : i32 to index
      %get3A_341 = arith.index_cast %add3A_338 : i32 to index
      %get3A_342 = arith.constant 32 : index
      %get3A_343 = tpu.vector_load %arg6[%get3A_340, %get3A_341, %get3A_342] {strides = array<i32>} : memref<4x200x64xf32, #tpu.memory_space<vmem>>, vector<1x1x16xf32>,
      %get3A_344 = vector.shape_cast %get3A_343 : vector<1x1x16xf32> to vector<16xf32>
      %add3A_345 = arith.addf %scan3A_316, %get3A_344 : vector<16xf32>
      %add3A_346 = arith.constant 0 : i32
      %add3A_347 = arith.addi %mul3A_319, %add3A_346 : i32
      %get3A_348 = arith.constant 1 : i32
      %get3A_349 = arith.index_cast %get3A_348 : i32 to index
      %get3A_350 = arith.index_cast %add3A_347 : i32 to index
      %get3A_351 = arith.constant 48 : index
      %get3A_352 = tpu.vector_load %arg6[%get3A_349, %get3A_350, %get3A_351] {strides = array<i32>} : memref<4x200x64xf32, #tpu.memory_space<vmem>>, vector<1x1x16xf32>,
      %get3A_353 = vector.shape_cast %get3A_352 : vector<1x1x16xf32> to vector<16xf32>
      %add3A_354 = arith.addf %scan3A_317, %get3A_353 : vector<16xf32>
      %add3A_355 = arith.constant 1 : i32
      %add3A_356 = arith.addi %mul3A_319, %add3A_355 : i32
      %get3A_357 = arith.constant 1 : i32
      %get3A_358 = arith.index_cast %get3A_357 : i32 to index
      %get3A_359 = arith.index_cast %add3A_356 : i32 to index
      %get3A_360 = arith.constant 0 : index
      %get3A_361 = tpu.vector_load %arg6[%get3A_358, %get3A_359, %get3A_360] {strides = array<i32>} : memref<4x200x64xf32, #tpu.memory_space<vmem>>, vector<1x1x16xf32>,
      %get3A_362 = vector.shape_cast %get3A_361 : vector<1x1x16xf32> to vector<16xf32>
      %add3A_363 = arith.addf %add3A_327, %get3A_362 : vector<16xf32>
      %add3A_364 = arith.constant 1 : i32
      %add3A_365 = arith.addi %mul3A_319, %add3A_364 : i32
      %get3A_366 = arith.constant 1 : i32
      %get3A_367 = arith.index_cast %get3A_366 : i32 to index
      %get3A_368 = arith.index_cast %add3A_365 : i32 to index
      %get3A_369 = arith.constant 16 : index
      %get3A_370 = tpu.vector_load %arg6[%get3A_367, %get3A_368, %get3A_369] {strides = array<i32>} : memref<4x200x64xf32, #tpu.memory_space<vmem>>, vector<1x1x16xf32>,
      %get3A_371 = vector.shape_cast %get3A_370 : vector<1x1x16xf32> to vector<16xf32>
      %add3A_372 = arith.addf %add3A_336, %get3A_371 : vector<16xf32>
      %add3A_373 = arith.constant 1 : i32
      %add3A_374 = arith.addi %mul3A_319, %add3A_373 : i32
      %get3A_375 = arith.constant 1 : i32
      %get3A_376 = arith.index_cast %get3A_375 : i32 to index
      %get3A_377 = arith.index_cast %add3A_374 : i32 to index
      %get3A_378 = arith.constant 32 : index
      %get3A_379 = tpu.vector_load %arg6[%get3A_376, %get3A_377, %get3A_378] {strides = array<i32>} : memref<4x200x64xf32, #tpu.memory_space<vmem>>, vector<1x1x16xf32>,
      %get3A_380 = vector.shape_cast %get3A_379 : vector<1x1x16xf32> to vector<16xf32>
      %add3A_381 = arith.addf %add3A_345, %get3A_380 : vector<16xf32>
      %add3A_382 = arith.constant 1 : i32
      %add3A_383 = arith.addi %mul3A_319, %add3A_382 : i32
      %get3A_384 = arith.constant 1 : i32
      %get3A_385 = arith.index_cast %get3A_384 : i32 to index
      %get3A_386 = arith.index_cast %add3A_383 : i32 to index
      %get3A_387 = arith.constant 48 : index
      %get3A_388 = tpu.vector_load %arg6[%get3A_385, %get3A_386, %get3A_387] {strides = array<i32>} : memref<4x200x64xf32, #tpu.memory_space<vmem>>, vector<1x1x16xf32>,
      %get3A_389 = vector.shape_cast %get3A_388 : vector<1x1x16xf32> to vector<16xf32>
      %add3A_390 = arith.addf %add3A_354, %get3A_389 : vector<16xf32>
      %add3A_391 = arith.constant 2 : i32
      %add3A_392 = arith.addi %mul3A_319, %add3A_391 : i32
      %get3A_393 = arith.constant 1 : i32
      %get3A_394 = arith.index_cast %get3A_393 : i32 to index
      %get3A_395 = arith.index_cast %add3A_392 : i32 to index
      %get3A_396 = arith.constant 0 : index
      %get3A_397 = tpu.vector_load %arg6[%get3A_394, %get3A_395, %get3A_396] {strides = array<i32>} : memref<4x200x64xf32, #tpu.memory_space<vmem>>, vector<1x1x16xf32>,
      %get3A_398 = vector.shape_cast %get3A_397 : vector<1x1x16xf32> to vector<16xf32>
      %add3A_399 = arith.addf %add3A_363, %get3A_398 : vector<16xf32>
      %add3A_400 = arith.constant 2 : i32
      %add3A_401 = arith.addi %mul3A_319, %add3A_400 : i32
      %get3A_402 = arith.constant 1 : i32
      %get3A_403 = arith.index_cast %get3A_402 : i32 to index
      %get3A_404 = arith.index_cast %add3A_401 : i32 to index
      %get3A_405 = arith.constant 16 : index
      %get3A_406 = tpu.vector_load %arg6[%get3A_403, %get3A_404, %get3A_405] {strides = array<i32>} : memref<4x200x64xf32, #tpu.memory_space<vmem>>, vector<1x1x16xf32>,
      %get3A_407 = vector.shape_cast %get3A_406 : vector<1x1x16xf32> to vector<16xf32>
      %add3A_408 = arith.addf %add3A_372, %get3A_407 : vector<16xf32>
      %add3A_409 = arith.constant 2 : i32
      %add3A_410 = arith.addi %mul3A_319, %add3A_409 : i32
      %get3A_411 = arith.constant 1 : i32
      %get3A_412 = arith.index_cast %get3A_411 : i32 to index
      %get3A_413 = arith.index_cast %add3A_410 : i32 to index
      %get3A_414 = arith.constant 32 : index
      %get3A_415 = tpu.vector_load %arg6[%get3A_412, %get3A_413, %get3A_414] {strides = array<i32>} : memref<4x200x64xf32, #tpu.memory_space<vmem>>, vector<1x1x16xf32>,
      %get3A_416 = vector.shape_cast %get3A_415 : vector<1x1x16xf32> to vector<16xf32>
      %add3A_417 = arith.addf %add3A_381, %get3A_416 : vector<16xf32>
      %add3A_418 = arith.constant 2 : i32
      %add3A_419 = arith.addi %mul3A_319, %add3A_418 : i32
      %get3A_420 = arith.constant 1 : i32
      %get3A_421 = arith.index_cast %get3A_420 : i32 to index
      %get3A_422 = arith.index_cast %add3A_419 : i32 to index
      %get3A_423 = arith.constant 48 : index
      %get3A_424 = tpu.vector_load %arg6[%get3A_421, %get3A_422, %get3A_423] {strides = array<i32>} : memref<4x200x64xf32, #tpu.memory_space<vmem>>, vector<1x1x16xf32>,
      %get3A_425 = vector.shape_cast %get3A_424 : vector<1x1x16xf32> to vector<16xf32>
      %add3A_426 = arith.addf %add3A_390, %get3A_425 : vector<16xf32>
      %add3A_427 = arith.constant 3 : i32
      %add3A_428 = arith.addi %mul3A_319, %add3A_427 : i32
      %get3A_429 = arith.constant 1 : i32
      %get3A_430 = arith.index_cast %get3A_429 : i32 to index
      %get3A_431 = arith.index_cast %add3A_428 : i32 to index
      %get3A_432 = arith.constant 0 : index
      %get3A_433 = tpu.vector_load %arg6[%get3A_430, %get3A_431, %get3A_432] {strides = array<i32>} : memref<4x200x64xf32, #tpu.memory_space<vmem>>, vector<1x1x16xf32>,
      %get3A_434 = vector.shape_cast %get3A_433 : vector<1x1x16xf32> to vector<16xf32>
      %add3A_435 = arith.addf %add3A_399, %get3A_434 : vector<16xf32>
      %add3A_436 = arith.constant 3 : i32
      %add3A_437 = arith.addi %mul3A_319, %add3A_436 : i32
      %get3A_438 = arith.constant 1 : i32
      %get3A_439 = arith.index_cast %get3A_438 : i32 to index
      %get3A_440 = arith.index_cast %add3A_437 : i32 to index
      %get3A_441 = arith.constant 16 : index
      %get3A_442 = tpu.vector_load %arg6[%get3A_439, %get3A_440, %get3A_441] {strides = array<i32>} : memref<4x200x64xf32, #tpu.memory_space<vmem>>, vector<1x1x16xf32>,
      %get3A_443 = vector.shape_cast %get3A_442 : vector<1x1x16xf32> to vector<16xf32>
      %add3A_444 = arith.addf %add3A_408, %get3A_443 : vector<16xf32>
      %add3A_445 = arith.constant 3 : i32
      %add3A_446 = arith.addi %mul3A_319, %add3A_445 : i32
      %get3A_447 = arith.constant 1 : i32
      %get3A_448 = arith.index_cast %get3A_447 : i32 to index
      %get3A_449 = arith.index_cast %add3A_446 : i32 to index
      %get3A_450 = arith.constant 32 : index
      %get3A_451 = tpu.vector_load %arg6[%get3A_448, %get3A_449, %get3A_450] {strides = array<i32>} : memref<4x200x64xf32, #tpu.memory_space<vmem>>, vector<1x1x16xf32>,
      %get3A_452 = vector.shape_cast %get3A_451 : vector<1x1x16xf32> to vector<16xf32>
      %add3A_453 = arith.addf %add3A_417, %get3A_452 : vector<16xf32>
      %add3A_454 = arith.constant 3 : i32
      %add3A_455 = arith.addi %mul3A_319, %add3A_454 : i32
      %get3A_456 = arith.constant 1 : i32
      %get3A_457 = arith.index_cast %get3A_456 : i32 to index
      %get3A_458 = arith.index_cast %add3A_455 : i32 to index
      %get3A_459 = arith.constant 48 : index
      %get3A_460 = tpu.vector_load %arg6[%get3A_457, %get3A_458, %get3A_459] {strides = array<i32>} : memref<4x200x64xf32, #tpu.memory_space<vmem>>, vector<1x1x16xf32>,
      %get3A_461 = vector.shape_cast %get3A_460 : vector<1x1x16xf32> to vector<16xf32>
      %add3A_462 = arith.addf %add3A_426, %get3A_461 : vector<16xf32>
      scf.yield %add3A_435, %add3A_444, %add3A_453, %add3A_462 : vector<16xf32>, vector<16xf32>, vector<16xf32>, vector<16xf32>
    }
    %scan3A_182 = arith.constant 50 : i32
    %swap3A_183 = arith.constant 125 : i32
    %swap3A_184 = arith.index_cast %swap3A_183 : i32 to index
    %swap3A_185 = arith.constant 0 : index
    %swap3A_186 = tpu.vector_load %arg7[%swap3A_184, %swap3A_185] {strides = array<i32>} : memref<128x64xf32, #tpu.memory_space<vmem>>, vector<1x16xf32>,
    %swap3A_187 = vector.shape_cast %swap3A_186 : vector<1x16xf32> to vector<16xf32>
    %swap3A_188 = vector.shape_cast %scan3A_181#0 : vector<16xf32> to vector<1x16xf32>
    tpu.vector_store %arg7[%swap3A_184, %swap3A_185], %swap3A_188 {strides = array<i32>} : memref<128x64xf32, #tpu.memory_space<vmem>>, vector<1x16xf32>,
    %swap3A_189 = arith.constant 125 : i32
    %swap3A_190 = arith.index_cast %swap3A_189 : i32 to index
    %swap3A_191 = arith.constant 16 : index
    %swap3A_192 = tpu.vector_load %arg7[%swap3A_190, %swap3A_191] {strides = array<i32>} : memref<128x64xf32, #tpu.memory_space<vmem>>, vector<1x16xf32>,
    %swap3A_193 = vector.shape_cast %swap3A_192 : vector<1x16xf32> to vector<16xf32>
    %swap3A_194 = vector.shape_cast %scan3A_181#1 : vector<16xf32> to vector<1x16xf32>
    tpu.vector_store %arg7[%swap3A_190, %swap3A_191], %swap3A_194 {strides = array<i32>} : memref<128x64xf32, #tpu.memory_space<vmem>>, vector<1x16xf32>,
    %swap3A_195 = arith.constant 125 : i32
    %swap3A_196 = arith.index_cast %swap3A_195 : i32 to index
    %swap3A_197 = arith.constant 32 : index
    %swap3A_198 = tpu.vector_load %arg7[%swap3A_196, %swap3A_197] {strides = array<i32>} : memref<128x64xf32, #tpu.memory_space<vmem>>, vector<1x16xf32>,
    %swap3A_199 = vector.shape_cast %swap3A_198 : vector<1x16xf32> to vector<16xf32>
    %swap3A_200 = vector.shape_cast %scan3A_181#2 : vector<16xf32> to vector<1x16xf32>
    tpu.vector_store %arg7[%swap3A_196, %swap3A_197], %swap3A_200 {strides = array<i32>} : memref<128x64xf32, #tpu.memory_space<vmem>>, vector<1x16xf32>,
    %swap3A_201 = arith.constant 125 : i32
    %swap3A_202 = arith.index_cast %swap3A_201 : i32 to index
    %swap3A_203 = arith.constant 48 : index
    %swap3A_204 = tpu.vector_load %arg7[%swap3A_202, %swap3A_203] {strides = array<i32>} : memref<128x64xf32, #tpu.memory_space<vmem>>, vector<1x16xf32>,
    %swap3A_205 = vector.shape_cast %swap3A_204 : vector<1x16xf32> to vector<16xf32>
    %swap3A_206 = vector.shape_cast %scan3A_181#3 : vector<16xf32> to vector<1x16xf32>
    tpu.vector_store %arg7[%swap3A_202, %swap3A_203], %swap3A_206 {strides = array<i32>} : memref<128x64xf32, #tpu.memory_space<vmem>>, vector<1x16xf32>,
    %dma_wait3A_207 = arith.constant 2 : i32
    %dma_wait3A_208 = arith.constant 0 : i32
    %dma_wait3A_209 = arith.constant 0 : i32
    %dma_wait3A_210 = tpu.memref_slice %arg6[%dma_wait3A_207, %dma_wait3A_208, %dma_wait3A_209] : memref<4x200x64xf32, #tpu.memory_space<vmem>> -> memref<1x200x64xf32, #tpu.memory_space<vmem>>
    %dma_wait3A_211 = tpu.memref_squeeze %dma_wait3A_210 : memref<1x200x64xf32, #tpu.memory_space<vmem>> -> memref<200x64xf32, #tpu.memory_space<vmem>>
    %dma_wait3A_212 = arith.constant 0 : i32
    %dma_wait3A_213 = arith.constant 0 : i32
    %dma_wait3A_214 = tpu.memref_slice %arg3[%dma_wait3A_212, %dma_wait3A_213] : memref<1015808x64xf32, #tpu.memory_space<hbm>> -> memref<200x64xf32, #tpu.memory_space<hbm>>
    %dma_wait3A_215 = arith.constant 0 : i32
    %dma_wait3A_216 = arith.constant 0 : i32
    %dma_wait3A_217 = tpu.memref_slice %arg6[%dma_wait3A_207, %dma_wait3A_215, %dma_wait3A_216] : memref<4x200x64xf32, #tpu.memory_space<vmem>> -> memref<1x200x64xf32, #tpu.memory_space<vmem>>
    %dma_wait3A_218 = tpu.memref_squeeze %dma_wait3A_217 : memref<1x200x64xf32, #tpu.memory_space<vmem>> -> memref<200x64xf32, #tpu.memory_space<vmem>>
    %dma_wait3A_219 = arith.constant 0 : i32
    %dma_wait3A_220 = arith.constant 0 : i32
    %dma_wait3A_221 = tpu.memref_slice %arg3[%dma_wait3A_219, %dma_wait3A_220] : memref<1015808x64xf32, #tpu.memory_space<hbm>> -> memref<200x64xf32, #tpu.memory_space<hbm>>
    tpu.wait_dma2 semaphore(%arg10 : memref<!tpu.dma_semaphore, #tpu.memory_space<semaphore_mem>>) src(%dma_wait3A_221 : memref<200x64xf32, #tpu.memory_space<hbm>>) dst(%dma_wait3A_218 : memref<200x64xf32, #tpu.memory_space<vmem>>)
    %broadcast_in_dim3A_222 = arith.constant 0.000000e+00 : f32
    %broadcast_in_dim3A_223 = vector.broadcast %broadcast_in_dim3A_222 : f32 to vector<16xf32>
    %broadcast_in_dim3A_224 = arith.constant 0.000000e+00 : f32
    %broadcast_in_dim3A_225 = vector.broadcast %broadcast_in_dim3A_224 : f32 to vector<16xf32>
    %broadcast_in_dim3A_226 = arith.constant 0.000000e+00 : f32
    %broadcast_in_dim3A_227 = vector.broadcast %broadcast_in_dim3A_226 : f32 to vector<16xf32>
    %broadcast_in_dim3A_228 = arith.constant 0.000000e+00 : f32
    %broadcast_in_dim3A_229 = vector.broadcast %broadcast_in_dim3A_228 : f32 to vector<16xf32>
    %scan3A_230 = arith.constant 0 : i32
    %scan3A_231 = arith.constant 50 : i32
    %scan3A_232 = arith.addi %scan3A_230, %scan3A_231 : i32
    %scan3A_233 = arith.constant 1 : i32
    %scan3A_234:4 = scf.for %scan3A_313 = %scan3A_230 to %scan3A_232 step %scan3A_233 iter_args(%scan3A_314 = %broadcast_in_dim3A_223, %scan3A_315 = %broadcast_in_dim3A_225, %scan3A_316 = %broadcast_in_dim3A_227, %scan3A_317 = %broadcast_in_dim3A_229) -> (vector<16xf32>, vector<16xf32>, vector<16xf32>, vector<16xf32>)  : i32 {
      %mul3A_318 = arith.constant 4 : i32
      %mul3A_319 = arith.muli %scan3A_313, %mul3A_318 : i32
      %add3A_320 = arith.constant 0 : i32
      %add3A_321 = arith.addi %mul3A_319, %add3A_320 : i32
      %get3A = arith.constant 2 : i32
      %get3A_322 = arith.index_cast %get3A : i32 to index
      %get3A_323 = arith.index_cast %add3A_321 : i32 to index
      %get3A_324 = arith.constant 0 : index
      %get3A_325 = tpu.vector_load %arg6[%get3A_322, %get3A_323, %get3A_324] {strides = array<i32>} : memref<4x200x64xf32, #tpu.memory_space<vmem>>, vector<1x1x16xf32>,
      %get3A_326 = vector.shape_cast %get3A_325 : vector<1x1x16xf32> to vector<16xf32>
      %add3A_327 = arith.addf %scan3A_314, %get3A_326 : vector<16xf32>
      %add3A_328 = arith.constant 0 : i32
      %add3A_329 = arith.addi %mul3A_319, %add3A_328 : i32
      %get3A_330 = arith.constant 2 : i32
      %get3A_331 = arith.index_cast %get3A_330 : i32 to index
      %get3A_332 = arith.index_cast %add3A_329 : i32 to index
      %get3A_333 = arith.constant 16 : index
      %get3A_334 = tpu.vector_load %arg6[%get3A_331, %get3A_332, %get3A_333] {strides = array<i32>} : memref<4x200x64xf32, #tpu.memory_space<vmem>>, vector<1x1x16xf32>,
      %get3A_335 = vector.shape_cast %get3A_334 : vector<1x1x16xf32> to vector<16xf32>
      %add3A_336 = arith.addf %scan3A_315, %get3A_335 : vector<16xf32>
      %add3A_337 = arith.constant 0 : i32
      %add3A_338 = arith.addi %mul3A_319, %add3A_337 : i32
      %get3A_339 = arith.constant 2 : i32
      %get3A_340 = arith.index_cast %get3A_339 : i32 to index
      %get3A_341 = arith.index_cast %add3A_338 : i32 to index
      %get3A_342 = arith.constant 32 : index
      %get3A_343 = tpu.vector_load %arg6[%get3A_340, %get3A_341, %get3A_342] {strides = array<i32>} : memref<4x200x64xf32, #tpu.memory_space<vmem>>, vector<1x1x16xf32>,
      %get3A_344 = vector.shape_cast %get3A_343 : vector<1x1x16xf32> to vector<16xf32>
      %add3A_345 = arith.addf %scan3A_316, %get3A_344 : vector<16xf32>
      %add3A_346 = arith.constant 0 : i32
      %add3A_347 = arith.addi %mul3A_319, %add3A_346 : i32
      %get3A_348 = arith.constant 2 : i32
      %get3A_349 = arith.index_cast %get3A_348 : i32 to index
      %get3A_350 = arith.index_cast %add3A_347 : i32 to index
      %get3A_351 = arith.constant 48 : index
      %get3A_352 = tpu.vector_load %arg6[%get3A_349, %get3A_350, %get3A_351] {strides = array<i32>} : memref<4x200x64xf32, #tpu.memory_space<vmem>>, vector<1x1x16xf32>,
      %get3A_353 = vector.shape_cast %get3A_352 : vector<1x1x16xf32> to vector<16xf32>
      %add3A_354 = arith.addf %scan3A_317, %get3A_353 : vector<16xf32>
      %add3A_355 = arith.constant 1 : i32
      %add3A_356 = arith.addi %mul3A_319, %add3A_355 : i32
      %get3A_357 = arith.constant 2 : i32
      %get3A_358 = arith.index_cast %get3A_357 : i32 to index
      %get3A_359 = arith.index_cast %add3A_356 : i32 to index
      %get3A_360 = arith.constant 0 : index
      %get3A_361 = tpu.vector_load %arg6[%get3A_358, %get3A_359, %get3A_360] {strides = array<i32>} : memref<4x200x64xf32, #tpu.memory_space<vmem>>, vector<1x1x16xf32>,
      %get3A_362 = vector.shape_cast %get3A_361 : vector<1x1x16xf32> to vector<16xf32>
      %add3A_363 = arith.addf %add3A_327, %get3A_362 : vector<16xf32>
      %add3A_364 = arith.constant 1 : i32
      %add3A_365 = arith.addi %mul3A_319, %add3A_364 : i32
      %get3A_366 = arith.constant 2 : i32
      %get3A_367 = arith.index_cast %get3A_366 : i32 to index
      %get3A_368 = arith.index_cast %add3A_365 : i32 to index
      %get3A_369 = arith.constant 16 : index
      %get3A_370 = tpu.vector_load %arg6[%get3A_367, %get3A_368, %get3A_369] {strides = array<i32>} : memref<4x200x64xf32, #tpu.memory_space<vmem>>, vector<1x1x16xf32>,
      %get3A_371 = vector.shape_cast %get3A_370 : vector<1x1x16xf32> to vector<16xf32>
      %add3A_372 = arith.addf %add3A_336, %get3A_371 : vector<16xf32>
      %add3A_373 = arith.constant 1 : i32
      %add3A_374 = arith.addi %mul3A_319, %add3A_373 : i32
      %get3A_375 = arith.constant 2 : i32
      %get3A_376 = arith.index_cast %get3A_375 : i32 to index
      %get3A_377 = arith.index_cast %add3A_374 : i32 to index
      %get3A_378 = arith.constant 32 : index
      %get3A_379 = tpu.vector_load %arg6[%get3A_376, %get3A_377, %get3A_378] {strides = array<i32>} : memref<4x200x64xf32, #tpu.memory_space<vmem>>, vector<1x1x16xf32>,
      %get3A_380 = vector.shape_cast %get3A_379 : vector<1x1x16xf32> to vector<16xf32>
      %add3A_381 = arith.addf %add3A_345, %get3A_380 : vector<16xf32>
      %add3A_382 = arith.constant 1 : i32
      %add3A_383 = arith.addi %mul3A_319, %add3A_382 : i32
      %get3A_384 = arith.constant 2 : i32
      %get3A_385 = arith.index_cast %get3A_384 : i32 to index
      %get3A_386 = arith.index_cast %add3A_383 : i32 to index
      %get3A_387 = arith.constant 48 : index
      %get3A_388 = tpu.vector_load %arg6[%get3A_385, %get3A_386, %get3A_387] {strides = array<i32>} : memref<4x200x64xf32, #tpu.memory_space<vmem>>, vector<1x1x16xf32>,
      %get3A_389 = vector.shape_cast %get3A_388 : vector<1x1x16xf32> to vector<16xf32>
      %add3A_390 = arith.addf %add3A_354, %get3A_389 : vector<16xf32>
      %add3A_391 = arith.constant 2 : i32
      %add3A_392 = arith.addi %mul3A_319, %add3A_391 : i32
      %get3A_393 = arith.constant 2 : i32
      %get3A_394 = arith.index_cast %get3A_393 : i32 to index
      %get3A_395 = arith.index_cast %add3A_392 : i32 to index
      %get3A_396 = arith.constant 0 : index
      %get3A_397 = tpu.vector_load %arg6[%get3A_394, %get3A_395, %get3A_396] {strides = array<i32>} : memref<4x200x64xf32, #tpu.memory_space<vmem>>, vector<1x1x16xf32>,
      %get3A_398 = vector.shape_cast %get3A_397 : vector<1x1x16xf32> to vector<16xf32>
      %add3A_399 = arith.addf %add3A_363, %get3A_398 : vector<16xf32>
      %add3A_400 = arith.constant 2 : i32
      %add3A_401 = arith.addi %mul3A_319, %add3A_400 : i32
      %get3A_402 = arith.constant 2 : i32
      %get3A_403 = arith.index_cast %get3A_402 : i32 to index
      %get3A_404 = arith.index_cast %add3A_401 : i32 to index
      %get3A_405 = arith.constant 16 : index
      %get3A_406 = tpu.vector_load %arg6[%get3A_403, %get3A_404, %get3A_405] {strides = array<i32>} : memref<4x200x64xf32, #tpu.memory_space<vmem>>, vector<1x1x16xf32>,
      %get3A_407 = vector.shape_cast %get3A_406 : vector<1x1x16xf32> to vector<16xf32>
      %add3A_408 = arith.addf %add3A_372, %get3A_407 : vector<16xf32>
      %add3A_409 = arith.constant 2 : i32
      %add3A_410 = arith.addi %mul3A_319, %add3A_409 : i32
      %get3A_411 = arith.constant 2 : i32
      %get3A_412 = arith.index_cast %get3A_411 : i32 to index
      %get3A_413 = arith.index_cast %add3A_410 : i32 to index
      %get3A_414 = arith.constant 32 : index
      %get3A_415 = tpu.vector_load %arg6[%get3A_412, %get3A_413, %get3A_414] {strides = array<i32>} : memref<4x200x64xf32, #tpu.memory_space<vmem>>, vector<1x1x16xf32>,
      %get3A_416 = vector.shape_cast %get3A_415 : vector<1x1x16xf32> to vector<16xf32>
      %add3A_417 = arith.addf %add3A_381, %get3A_416 : vector<16xf32>
      %add3A_418 = arith.constant 2 : i32
      %add3A_419 = arith.addi %mul3A_319, %add3A_418 : i32
      %get3A_420 = arith.constant 2 : i32
      %get3A_421 = arith.index_cast %get3A_420 : i32 to index
      %get3A_422 = arith.index_cast %add3A_419 : i32 to index
      %get3A_423 = arith.constant 48 : index
      %get3A_424 = tpu.vector_load %arg6[%get3A_421, %get3A_422, %get3A_423] {strides = array<i32>} : memref<4x200x64xf32, #tpu.memory_space<vmem>>, vector<1x1x16xf32>,
      %get3A_425 = vector.shape_cast %get3A_424 : vector<1x1x16xf32> to vector<16xf32>
      %add3A_426 = arith.addf %add3A_390, %get3A_425 : vector<16xf32>
      %add3A_427 = arith.constant 3 : i32
      %add3A_428 = arith.addi %mul3A_319, %add3A_427 : i32
      %get3A_429 = arith.constant 2 : i32
      %get3A_430 = arith.index_cast %get3A_429 : i32 to index
      %get3A_431 = arith.index_cast %add3A_428 : i32 to index
      %get3A_432 = arith.constant 0 : index
      %get3A_433 = tpu.vector_load %arg6[%get3A_430, %get3A_431, %get3A_432] {strides = array<i32>} : memref<4x200x64xf32, #tpu.memory_space<vmem>>, vector<1x1x16xf32>,
      %get3A_434 = vector.shape_cast %get3A_433 : vector<1x1x16xf32> to vector<16xf32>
      %add3A_435 = arith.addf %add3A_399, %get3A_434 : vector<16xf32>
      %add3A_436 = arith.constant 3 : i32
      %add3A_437 = arith.addi %mul3A_319, %add3A_436 : i32
      %get3A_438 = arith.constant 2 : i32
      %get3A_439 = arith.index_cast %get3A_438 : i32 to index
      %get3A_440 = arith.index_cast %add3A_437 : i32 to index
      %get3A_441 = arith.constant 16 : index
      %get3A_442 = tpu.vector_load %arg6[%get3A_439, %get3A_440, %get3A_441] {strides = array<i32>} : memref<4x200x64xf32, #tpu.memory_space<vmem>>, vector<1x1x16xf32>,
      %get3A_443 = vector.shape_cast %get3A_442 : vector<1x1x16xf32> to vector<16xf32>
      %add3A_444 = arith.addf %add3A_408, %get3A_443 : vector<16xf32>
      %add3A_445 = arith.constant 3 : i32
      %add3A_446 = arith.addi %mul3A_319, %add3A_445 : i32
      %get3A_447 = arith.constant 2 : i32
      %get3A_448 = arith.index_cast %get3A_447 : i32 to index
      %get3A_449 = arith.index_cast %add3A_446 : i32 to index
      %get3A_450 = arith.constant 32 : index
      %get3A_451 = tpu.vector_load %arg6[%get3A_448, %get3A_449, %get3A_450] {strides = array<i32>} : memref<4x200x64xf32, #tpu.memory_space<vmem>>, vector<1x1x16xf32>,
      %get3A_452 = vector.shape_cast %get3A_451 : vector<1x1x16xf32> to vector<16xf32>
      %add3A_453 = arith.addf %add3A_417, %get3A_452 : vector<16xf32>
      %add3A_454 = arith.constant 3 : i32
      %add3A_455 = arith.addi %mul3A_319, %add3A_454 : i32
      %get3A_456 = arith.constant 2 : i32
      %get3A_457 = arith.index_cast %get3A_456 : i32 to index
      %get3A_458 = arith.index_cast %add3A_455 : i32 to index
      %get3A_459 = arith.constant 48 : index
      %get3A_460 = tpu.vector_load %arg6[%get3A_457, %get3A_458, %get3A_459] {strides = array<i32>} : memref<4x200x64xf32, #tpu.memory_space<vmem>>, vector<1x1x16xf32>,
      %get3A_461 = vector.shape_cast %get3A_460 : vector<1x1x16xf32> to vector<16xf32>
      %add3A_462 = arith.addf %add3A_426, %get3A_461 : vector<16xf32>
      scf.yield %add3A_435, %add3A_444, %add3A_453, %add3A_462 : vector<16xf32>, vector<16xf32>, vector<16xf32>, vector<16xf32>
    }
    %scan3A_235 = arith.constant 50 : i32
    %swap3A_236 = arith.constant 126 : i32
    %swap3A_237 = arith.index_cast %swap3A_236 : i32 to index
    %swap3A_238 = arith.constant 0 : index
    %swap3A_239 = tpu.vector_load %arg7[%swap3A_237, %swap3A_238] {strides = array<i32>} : memref<128x64xf32, #tpu.memory_space<vmem>>, vector<1x16xf32>,
    %swap3A_240 = vector.shape_cast %swap3A_239 : vector<1x16xf32> to vector<16xf32>
    %swap3A_241 = vector.shape_cast %scan3A_234#0 : vector<16xf32> to vector<1x16xf32>
    tpu.vector_store %arg7[%swap3A_237, %swap3A_238], %swap3A_241 {strides = array<i32>} : memref<128x64xf32, #tpu.memory_space<vmem>>, vector<1x16xf32>,
    %swap3A_242 = arith.constant 126 : i32
    %swap3A_243 = arith.index_cast %swap3A_242 : i32 to index
    %swap3A_244 = arith.constant 16 : index
    %swap3A_245 = tpu.vector_load %arg7[%swap3A_243, %swap3A_244] {strides = array<i32>} : memref<128x64xf32, #tpu.memory_space<vmem>>, vector<1x16xf32>,
    %swap3A_246 = vector.shape_cast %swap3A_245 : vector<1x16xf32> to vector<16xf32>
    %swap3A_247 = vector.shape_cast %scan3A_234#1 : vector<16xf32> to vector<1x16xf32>
    tpu.vector_store %arg7[%swap3A_243, %swap3A_244], %swap3A_247 {strides = array<i32>} : memref<128x64xf32, #tpu.memory_space<vmem>>, vector<1x16xf32>,
    %swap3A_248 = arith.constant 126 : i32
    %swap3A_249 = arith.index_cast %swap3A_248 : i32 to index
    %swap3A_250 = arith.constant 32 : index
    %swap3A_251 = tpu.vector_load %arg7[%swap3A_249, %swap3A_250] {strides = array<i32>} : memref<128x64xf32, #tpu.memory_space<vmem>>, vector<1x16xf32>,
    %swap3A_252 = vector.shape_cast %swap3A_251 : vector<1x16xf32> to vector<16xf32>
    %swap3A_253 = vector.shape_cast %scan3A_234#2 : vector<16xf32> to vector<1x16xf32>
    tpu.vector_store %arg7[%swap3A_249, %swap3A_250], %swap3A_253 {strides = array<i32>} : memref<128x64xf32, #tpu.memory_space<vmem>>, vector<1x16xf32>,
    %swap3A_254 = arith.constant 126 : i32
    %swap3A_255 = arith.index_cast %swap3A_254 : i32 to index
    %swap3A_256 = arith.constant 48 : index
    %swap3A_257 = tpu.vector_load %arg7[%swap3A_255, %swap3A_256] {strides = array<i32>} : memref<128x64xf32, #tpu.memory_space<vmem>>, vector<1x16xf32>,
    %swap3A_258 = vector.shape_cast %swap3A_257 : vector<1x16xf32> to vector<16xf32>
    %swap3A_259 = vector.shape_cast %scan3A_234#3 : vector<16xf32> to vector<1x16xf32>
    tpu.vector_store %arg7[%swap3A_255, %swap3A_256], %swap3A_259 {strides = array<i32>} : memref<128x64xf32, #tpu.memory_space<vmem>>, vector<1x16xf32>,
    %dma_wait3A_260 = arith.constant 3 : i32
    %dma_wait3A_261 = arith.constant 0 : i32
    %dma_wait3A_262 = arith.constant 0 : i32
    %dma_wait3A_263 = tpu.memref_slice %arg6[%dma_wait3A_260, %dma_wait3A_261, %dma_wait3A_262] : memref<4x200x64xf32, #tpu.memory_space<vmem>> -> memref<1x200x64xf32, #tpu.memory_space<vmem>>
    %dma_wait3A_264 = tpu.memref_squeeze %dma_wait3A_263 : memref<1x200x64xf32, #tpu.memory_space<vmem>> -> memref<200x64xf32, #tpu.memory_space<vmem>>
    %dma_wait3A_265 = arith.constant 0 : i32
    %dma_wait3A_266 = arith.constant 0 : i32
    %dma_wait3A_267 = tpu.memref_slice %arg3[%dma_wait3A_265, %dma_wait3A_266] : memref<1015808x64xf32, #tpu.memory_space<hbm>> -> memref<200x64xf32, #tpu.memory_space<hbm>>
    %dma_wait3A_268 = arith.constant 0 : i32
    %dma_wait3A_269 = arith.constant 0 : i32
    %dma_wait3A_270 = tpu.memref_slice %arg6[%dma_wait3A_260, %dma_wait3A_268, %dma_wait3A_269] : memref<4x200x64xf32, #tpu.memory_space<vmem>> -> memref<1x200x64xf32, #tpu.memory_space<vmem>>
    %dma_wait3A_271 = tpu.memref_squeeze %dma_wait3A_270 : memref<1x200x64xf32, #tpu.memory_space<vmem>> -> memref<200x64xf32, #tpu.memory_space<vmem>>
    %dma_wait3A_272 = arith.constant 0 : i32
    %dma_wait3A_273 = arith.constant 0 : i32
    %dma_wait3A_274 = tpu.memref_slice %arg3[%dma_wait3A_272, %dma_wait3A_273] : memref<1015808x64xf32, #tpu.memory_space<hbm>> -> memref<200x64xf32, #tpu.memory_space<hbm>>
    tpu.wait_dma2 semaphore(%arg11 : memref<!tpu.dma_semaphore, #tpu.memory_space<semaphore_mem>>) src(%dma_wait3A_274 : memref<200x64xf32, #tpu.memory_space<hbm>>) dst(%dma_wait3A_271 : memref<200x64xf32, #tpu.memory_space<vmem>>)
    %broadcast_in_dim3A_275 = arith.constant 0.000000e+00 : f32
    %broadcast_in_dim3A_276 = vector.broadcast %broadcast_in_dim3A_275 : f32 to vector<16xf32>
    %broadcast_in_dim3A_277 = arith.constant 0.000000e+00 : f32
    %broadcast_in_dim3A_278 = vector.broadcast %broadcast_in_dim3A_277 : f32 to vector<16xf32>
    %broadcast_in_dim3A_279 = arith.constant 0.000000e+00 : f32
    %broadcast_in_dim3A_280 = vector.broadcast %broadcast_in_dim3A_279 : f32 to vector<16xf32>
    %broadcast_in_dim3A_281 = arith.constant 0.000000e+00 : f32
    %broadcast_in_dim3A_282 = vector.broadcast %broadcast_in_dim3A_281 : f32 to vector<16xf32>
    %scan3A_283 = arith.constant 0 : i32
    %scan3A_284 = arith.constant 50 : i32
    %scan3A_285 = arith.addi %scan3A_283, %scan3A_284 : i32
    %scan3A_286 = arith.constant 1 : i32
    %scan3A_287:4 = scf.for %scan3A_313 = %scan3A_283 to %scan3A_285 step %scan3A_286 iter_args(%scan3A_314 = %broadcast_in_dim3A_276, %scan3A_315 = %broadcast_in_dim3A_278, %scan3A_316 = %broadcast_in_dim3A_280, %scan3A_317 = %broadcast_in_dim3A_282) -> (vector<16xf32>, vector<16xf32>, vector<16xf32>, vector<16xf32>)  : i32 {
      %mul3A_318 = arith.constant 4 : i32
      %mul3A_319 = arith.muli %scan3A_313, %mul3A_318 : i32
      %add3A_320 = arith.constant 0 : i32
      %add3A_321 = arith.addi %mul3A_319, %add3A_320 : i32
      %get3A = arith.constant 3 : i32
      %get3A_322 = arith.index_cast %get3A : i32 to index
      %get3A_323 = arith.index_cast %add3A_321 : i32 to index
      %get3A_324 = arith.constant 0 : index
      %get3A_325 = tpu.vector_load %arg6[%get3A_322, %get3A_323, %get3A_324] {strides = array<i32>} : memref<4x200x64xf32, #tpu.memory_space<vmem>>, vector<1x1x16xf32>,
      %get3A_326 = vector.shape_cast %get3A_325 : vector<1x1x16xf32> to vector<16xf32>
      %add3A_327 = arith.addf %scan3A_314, %get3A_326 : vector<16xf32>
      %add3A_328 = arith.constant 0 : i32
      %add3A_329 = arith.addi %mul3A_319, %add3A_328 : i32
      %get3A_330 = arith.constant 3 : i32
      %get3A_331 = arith.index_cast %get3A_330 : i32 to index
      %get3A_332 = arith.index_cast %add3A_329 : i32 to index
      %get3A_333 = arith.constant 16 : index
      %get3A_334 = tpu.vector_load %arg6[%get3A_331, %get3A_332, %get3A_333] {strides = array<i32>} : memref<4x200x64xf32, #tpu.memory_space<vmem>>, vector<1x1x16xf32>,
      %get3A_335 = vector.shape_cast %get3A_334 : vector<1x1x16xf32> to vector<16xf32>
      %add3A_336 = arith.addf %scan3A_315, %get3A_335 : vector<16xf32>
      %add3A_337 = arith.constant 0 : i32
      %add3A_338 = arith.addi %mul3A_319, %add3A_337 : i32
      %get3A_339 = arith.constant 3 : i32
      %get3A_340 = arith.index_cast %get3A_339 : i32 to index
      %get3A_341 = arith.index_cast %add3A_338 : i32 to index
      %get3A_342 = arith.constant 32 : index
      %get3A_343 = tpu.vector_load %arg6[%get3A_340, %get3A_341, %get3A_342] {strides = array<i32>} : memref<4x200x64xf32, #tpu.memory_space<vmem>>, vector<1x1x16xf32>,
      %get3A_344 = vector.shape_cast %get3A_343 : vector<1x1x16xf32> to vector<16xf32>
      %add3A_345 = arith.addf %scan3A_316, %get3A_344 : vector<16xf32>
      %add3A_346 = arith.constant 0 : i32
      %add3A_347 = arith.addi %mul3A_319, %add3A_346 : i32
      %get3A_348 = arith.constant 3 : i32
      %get3A_349 = arith.index_cast %get3A_348 : i32 to index
      %get3A_350 = arith.index_cast %add3A_347 : i32 to index
      %get3A_351 = arith.constant 48 : index
      %get3A_352 = tpu.vector_load %arg6[%get3A_349, %get3A_350, %get3A_351] {strides = array<i32>} : memref<4x200x64xf32, #tpu.memory_space<vmem>>, vector<1x1x16xf32>,
      %get3A_353 = vector.shape_cast %get3A_352 : vector<1x1x16xf32> to vector<16xf32>
      %add3A_354 = arith.addf %scan3A_317, %get3A_353 : vector<16xf32>
      %add3A_355 = arith.constant 1 : i32
      %add3A_356 = arith.addi %mul3A_319, %add3A_355 : i32
      %get3A_357 = arith.constant 3 : i32
      %get3A_358 = arith.index_cast %get3A_357 : i32 to index
      %get3A_359 = arith.index_cast %add3A_356 : i32 to index
      %get3A_360 = arith.constant 0 : index
      %get3A_361 = tpu.vector_load %arg6[%get3A_358, %get3A_359, %get3A_360] {strides = array<i32>} : memref<4x200x64xf32, #tpu.memory_space<vmem>>, vector<1x1x16xf32>,
      %get3A_362 = vector.shape_cast %get3A_361 : vector<1x1x16xf32> to vector<16xf32>
      %add3A_363 = arith.addf %add3A_327, %get3A_362 : vector<16xf32>
      %add3A_364 = arith.constant 1 : i32
      %add3A_365 = arith.addi %mul3A_319, %add3A_364 : i32
      %get3A_366 = arith.constant 3 : i32
      %get3A_367 = arith.index_cast %get3A_366 : i32 to index
      %get3A_368 = arith.index_cast %add3A_365 : i32 to index
      %get3A_369 = arith.constant 16 : index
      %get3A_370 = tpu.vector_load %arg6[%get3A_367, %get3A_368, %get3A_369] {strides = array<i32>} : memref<4x200x64xf32, #tpu.memory_space<vmem>>, vector<1x1x16xf32>,
      %get3A_371 = vector.shape_cast %get3A_370 : vector<1x1x16xf32> to vector<16xf32>
      %add3A_372 = arith.addf %add3A_336, %get3A_371 : vector<16xf32>
      %add3A_373 = arith.constant 1 : i32
      %add3A_374 = arith.addi %mul3A_319, %add3A_373 : i32
      %get3A_375 = arith.constant 3 : i32
      %get3A_376 = arith.index_cast %get3A_375 : i32 to index
      %get3A_377 = arith.index_cast %add3A_374 : i32 to index
      %get3A_378 = arith.constant 32 : index
      %get3A_379 = tpu.vector_load %arg6[%get3A_376, %get3A_377, %get3A_378] {strides = array<i32>} : memref<4x200x64xf32, #tpu.memory_space<vmem>>, vector<1x1x16xf32>,
      %get3A_380 = vector.shape_cast %get3A_379 : vector<1x1x16xf32> to vector<16xf32>
      %add3A_381 = arith.addf %add3A_345, %get3A_380 : vector<16xf32>
      %add3A_382 = arith.constant 1 : i32
      %add3A_383 = arith.addi %mul3A_319, %add3A_382 : i32
      %get3A_384 = arith.constant 3 : i32
      %get3A_385 = arith.index_cast %get3A_384 : i32 to index
      %get3A_386 = arith.index_cast %add3A_383 : i32 to index
      %get3A_387 = arith.constant 48 : index
      %get3A_388 = tpu.vector_load %arg6[%get3A_385, %get3A_386, %get3A_387] {strides = array<i32>} : memref<4x200x64xf32, #tpu.memory_space<vmem>>, vector<1x1x16xf32>,
      %get3A_389 = vector.shape_cast %get3A_388 : vector<1x1x16xf32> to vector<16xf32>
      %add3A_390 = arith.addf %add3A_354, %get3A_389 : vector<16xf32>
      %add3A_391 = arith.constant 2 : i32
      %add3A_392 = arith.addi %mul3A_319, %add3A_391 : i32
      %get3A_393 = arith.constant 3 : i32
      %get3A_394 = arith.index_cast %get3A_393 : i32 to index
      %get3A_395 = arith.index_cast %add3A_392 : i32 to index
      %get3A_396 = arith.constant 0 : index
      %get3A_397 = tpu.vector_load %arg6[%get3A_394, %get3A_395, %get3A_396] {strides = array<i32>} : memref<4x200x64xf32, #tpu.memory_space<vmem>>, vector<1x1x16xf32>,
      %get3A_398 = vector.shape_cast %get3A_397 : vector<1x1x16xf32> to vector<16xf32>
      %add3A_399 = arith.addf %add3A_363, %get3A_398 : vector<16xf32>
      %add3A_400 = arith.constant 2 : i32
      %add3A_401 = arith.addi %mul3A_319, %add3A_400 : i32
      %get3A_402 = arith.constant 3 : i32
      %get3A_403 = arith.index_cast %get3A_402 : i32 to index
      %get3A_404 = arith.index_cast %add3A_401 : i32 to index
      %get3A_405 = arith.constant 16 : index
      %get3A_406 = tpu.vector_load %arg6[%get3A_403, %get3A_404, %get3A_405] {strides = array<i32>} : memref<4x200x64xf32, #tpu.memory_space<vmem>>, vector<1x1x16xf32>,
      %get3A_407 = vector.shape_cast %get3A_406 : vector<1x1x16xf32> to vector<16xf32>
      %add3A_408 = arith.addf %add3A_372, %get3A_407 : vector<16xf32>
      %add3A_409 = arith.constant 2 : i32
      %add3A_410 = arith.addi %mul3A_319, %add3A_409 : i32
      %get3A_411 = arith.constant 3 : i32
      %get3A_412 = arith.index_cast %get3A_411 : i32 to index
      %get3A_413 = arith.index_cast %add3A_410 : i32 to index
      %get3A_414 = arith.constant 32 : index
      %get3A_415 = tpu.vector_load %arg6[%get3A_412, %get3A_413, %get3A_414] {strides = array<i32>} : memref<4x200x64xf32, #tpu.memory_space<vmem>>, vector<1x1x16xf32>,
      %get3A_416 = vector.shape_cast %get3A_415 : vector<1x1x16xf32> to vector<16xf32>
      %add3A_417 = arith.addf %add3A_381, %get3A_416 : vector<16xf32>
      %add3A_418 = arith.constant 2 : i32
      %add3A_419 = arith.addi %mul3A_319, %add3A_418 : i32
      %get3A_420 = arith.constant 3 : i32
      %get3A_421 = arith.index_cast %get3A_420 : i32 to index
      %get3A_422 = arith.index_cast %add3A_419 : i32 to index
      %get3A_423 = arith.constant 48 : index
      %get3A_424 = tpu.vector_load %arg6[%get3A_421, %get3A_422, %get3A_423] {strides = array<i32>} : memref<4x200x64xf32, #tpu.memory_space<vmem>>, vector<1x1x16xf32>,
      %get3A_425 = vector.shape_cast %get3A_424 : vector<1x1x16xf32> to vector<16xf32>
      %add3A_426 = arith.addf %add3A_390, %get3A_425 : vector<16xf32>
      %add3A_427 = arith.constant 3 : i32
      %add3A_428 = arith.addi %mul3A_319, %add3A_427 : i32
      %get3A_429 = arith.constant 3 : i32
      %get3A_430 = arith.index_cast %get3A_429 : i32 to index
      %get3A_431 = arith.index_cast %add3A_428 : i32 to index
      %get3A_432 = arith.constant 0 : index
      %get3A_433 = tpu.vector_load %arg6[%get3A_430, %get3A_431, %get3A_432] {strides = array<i32>} : memref<4x200x64xf32, #tpu.memory_space<vmem>>, vector<1x1x16xf32>,
      %get3A_434 = vector.shape_cast %get3A_433 : vector<1x1x16xf32> to vector<16xf32>
      %add3A_435 = arith.addf %add3A_399, %get3A_434 : vector<16xf32>
      %add3A_436 = arith.constant 3 : i32
      %add3A_437 = arith.addi %mul3A_319, %add3A_436 : i32
      %get3A_438 = arith.constant 3 : i32
      %get3A_439 = arith.index_cast %get3A_438 : i32 to index
      %get3A_440 = arith.index_cast %add3A_437 : i32 to index
      %get3A_441 = arith.constant 16 : index
      %get3A_442 = tpu.vector_load %arg6[%get3A_439, %get3A_440, %get3A_441] {strides = array<i32>} : memref<4x200x64xf32, #tpu.memory_space<vmem>>, vector<1x1x16xf32>,
      %get3A_443 = vector.shape_cast %get3A_442 : vector<1x1x16xf32> to vector<16xf32>
      %add3A_444 = arith.addf %add3A_408, %get3A_443 : vector<16xf32>
      %add3A_445 = arith.constant 3 : i32
      %add3A_446 = arith.addi %mul3A_319, %add3A_445 : i32
      %get3A_447 = arith.constant 3 : i32
      %get3A_448 = arith.index_cast %get3A_447 : i32 to index
      %get3A_449 = arith.index_cast %add3A_446 : i32 to index
      %get3A_450 = arith.constant 32 : index
      %get3A_451 = tpu.vector_load %arg6[%get3A_448, %get3A_449, %get3A_450] {strides = array<i32>} : memref<4x200x64xf32, #tpu.memory_space<vmem>>, vector<1x1x16xf32>,
      %get3A_452 = vector.shape_cast %get3A_451 : vector<1x1x16xf32> to vector<16xf32>
      %add3A_453 = arith.addf %add3A_417, %get3A_452 : vector<16xf32>
      %add3A_454 = arith.constant 3 : i32
      %add3A_455 = arith.addi %mul3A_319, %add3A_454 : i32
      %get3A_456 = arith.constant 3 : i32
      %get3A_457 = arith.index_cast %get3A_456 : i32 to index
      %get3A_458 = arith.index_cast %add3A_455 : i32 to index
      %get3A_459 = arith.constant 48 : index
      %get3A_460 = tpu.vector_load %arg6[%get3A_457, %get3A_458, %get3A_459] {strides = array<i32>} : memref<4x200x64xf32, #tpu.memory_space<vmem>>, vector<1x1x16xf32>,
      %get3A_461 = vector.shape_cast %get3A_460 : vector<1x1x16xf32> to vector<16xf32>
      %add3A_462 = arith.addf %add3A_426, %get3A_461 : vector<16xf32>
      scf.yield %add3A_435, %add3A_444, %add3A_453, %add3A_462 : vector<16xf32>, vector<16xf32>, vector<16xf32>, vector<16xf32>
    }
    %scan3A_288 = arith.constant 50 : i32
    %swap3A_289 = arith.constant 127 : i32
    %swap3A_290 = arith.index_cast %swap3A_289 : i32 to index
    %swap3A_291 = arith.constant 0 : index
    %swap3A_292 = tpu.vector_load %arg7[%swap3A_290, %swap3A_291] {strides = array<i32>} : memref<128x64xf32, #tpu.memory_space<vmem>>, vector<1x16xf32>,
    %swap3A_293 = vector.shape_cast %swap3A_292 : vector<1x16xf32> to vector<16xf32>
    %swap3A_294 = vector.shape_cast %scan3A_287#0 : vector<16xf32> to vector<1x16xf32>
    tpu.vector_store %arg7[%swap3A_290, %swap3A_291], %swap3A_294 {strides = array<i32>} : memref<128x64xf32, #tpu.memory_space<vmem>>, vector<1x16xf32>,
    %swap3A_295 = arith.constant 127 : i32
    %swap3A_296 = arith.index_cast %swap3A_295 : i32 to index
    %swap3A_297 = arith.constant 16 : index
    %swap3A_298 = tpu.vector_load %arg7[%swap3A_296, %swap3A_297] {strides = array<i32>} : memref<128x64xf32, #tpu.memory_space<vmem>>, vector<1x16xf32>,
    %swap3A_299 = vector.shape_cast %swap3A_298 : vector<1x16xf32> to vector<16xf32>
    %swap3A_300 = vector.shape_cast %scan3A_287#1 : vector<16xf32> to vector<1x16xf32>
    tpu.vector_store %arg7[%swap3A_296, %swap3A_297], %swap3A_300 {strides = array<i32>} : memref<128x64xf32, #tpu.memory_space<vmem>>, vector<1x16xf32>,
    %swap3A_301 = arith.constant 127 : i32
    %swap3A_302 = arith.index_cast %swap3A_301 : i32 to index
    %swap3A_303 = arith.constant 32 : index
    %swap3A_304 = tpu.vector_load %arg7[%swap3A_302, %swap3A_303] {strides = array<i32>} : memref<128x64xf32, #tpu.memory_space<vmem>>, vector<1x16xf32>,
    %swap3A_305 = vector.shape_cast %swap3A_304 : vector<1x16xf32> to vector<16xf32>
    %swap3A_306 = vector.shape_cast %scan3A_287#2 : vector<16xf32> to vector<1x16xf32>
    tpu.vector_store %arg7[%swap3A_302, %swap3A_303], %swap3A_306 {strides = array<i32>} : memref<128x64xf32, #tpu.memory_space<vmem>>, vector<1x16xf32>,
    %swap3A_307 = arith.constant 127 : i32
    %swap3A_308 = arith.index_cast %swap3A_307 : i32 to index
    %swap3A_309 = arith.constant 48 : index
    %swap3A_310 = tpu.vector_load %arg7[%swap3A_308, %swap3A_309] {strides = array<i32>} : memref<128x64xf32, #tpu.memory_space<vmem>>, vector<1x16xf32>,
    %swap3A_311 = vector.shape_cast %swap3A_310 : vector<1x16xf32> to vector<16xf32>
    %swap3A_312 = vector.shape_cast %scan3A_287#3 : vector<16xf32> to vector<1x16xf32>
    tpu.vector_store %arg7[%swap3A_308, %swap3A_309], %swap3A_312 {strides = array<i32>} : memref<128x64xf32, #tpu.memory_space<vmem>>, vector<1x16xf32>,
    "tpu.region"() ({
      %run_scoped3A = tpu.sem_alloc : memref<!tpu.dma_semaphore, #tpu.memory_space<semaphore_mem>>
      %dma_start3A_313 = arith.constant 0 : i32
      %dma_start3A_314 = tpu.memref_slice %arg4[%mul3A_2, %dma_start3A_313] : memref<4096x64xf32, #tpu.memory_space<hbm>> -> memref<128x64xf32, #tpu.memory_space<hbm>>
      %dma_start3A_315 = arith.constant 0 : i32
      %dma_start3A_316 = tpu.memref_slice %arg4[%mul3A_2, %dma_start3A_315] : memref<4096x64xf32, #tpu.memory_space<hbm>> -> memref<128x64xf32, #tpu.memory_space<hbm>>
      tpu.enqueue_dma source(%arg7 : memref<128x64xf32, #tpu.memory_space<vmem>>) target(%dma_start3A_316 : memref<128x64xf32, #tpu.memory_space<hbm>>) target_semaphore(%run_scoped3A : memref<!tpu.dma_semaphore, #tpu.memory_space<semaphore_mem>>)
      %dma_wait3A_317 = arith.constant 0 : i32
      %dma_wait3A_318 = tpu.memref_slice %arg4[%mul3A_2, %dma_wait3A_317] : memref<4096x64xf32, #tpu.memory_space<hbm>> -> memref<128x64xf32, #tpu.memory_space<hbm>>
      %dma_wait3A_319 = arith.constant 0 : i32
      %dma_wait3A_320 = tpu.memref_slice %arg4[%mul3A_2, %dma_wait3A_319] : memref<4096x64xf32, #tpu.memory_space<hbm>> -> memref<128x64xf32, #tpu.memory_space<hbm>>
      tpu.wait_dma2 semaphore(%run_scoped3A : memref<!tpu.dma_semaphore, #tpu.memory_space<semaphore_mem>>) src(%arg7 : memref<128x64xf32, #tpu.memory_space<vmem>>) dst(%dma_wait3A_320 : memref<128x64xf32, #tpu.memory_space<hbm>>)
      tpu.yield
    }) : () -> ()
    return
  }
}

module attributes {stable_mosaic.version = 14 : i64} {
  func.func @_detile_body(%arg0: i32, %arg1: memref<64x16384xf32, #tpu.memory_space<vmem>>, %arg2: memref<64x64xbf16, #tpu.memory_space<vmem>>, %arg3: memref<8192x128xf32, #tpu.memory_space<vmem>>) attributes {dimension_semantics = [#tpu.dimension_semantics<arbitrary>], iteration_bounds = array<i64: 62>, scalar_prefetch = 0 : i64, scratch_operands = 0 : i64, tpu.core_type = #tpu.core_type<tc>, window_params = [{transform_indices = @transform_0, window_bounds = array<i64: 64, 16384>}, {pipeline_mode = #tpu.pipeline_mode<synchronous>, transform_indices = @transform_1, window_bounds = array<i64: 64, 64>}, {transform_indices = @transform_2, window_bounds = array<i64: 8192, 128>}]} {
    %get3A = arith.constant 0 : index
    %get3A_0 = arith.constant 0 : index
    %get3A_1 = vector.load %arg1[%get3A, %get3A_0] : memref<64x16384xf32, #tpu.memory_space<vmem>>, vector<64x16384xf32>
    %convert_element_type3A = arith.truncf %get3A_1 : vector<64x16384xf32> to vector<64x16384xbf16>
    %get3A_2 = arith.constant 0 : index
    %get3A_3 = arith.constant 0 : index
    %get3A_4 = vector.load %arg2[%get3A_2, %get3A_3] : memref<64x64xbf16, #tpu.memory_space<vmem>>, vector<64x64xbf16>
    %slice3A = vector.extract_strided_slice %convert_element_type3A {offsets = [0, 0], sizes = [64, 8192], strides = [1, 1]} : vector<64x16384xbf16> to vector<64x8192xbf16>
    %dot_general3A = arith.constant dense<0.000000e+00> : vector<8192x64xf32>
    %dot_general3A_5 = tpu.matmul %slice3A, %get3A_4, %dot_general3A {dimension_numbers = #tpu.dot_dimension_numbers<[0], [0], [1], [1], [0, 1, 1, 1], [], []>, transpose_lhs_hint = false} : vector<64x8192xbf16>, vector<64x64xbf16>, vector<8192x64xf32> -> vector<8192x64xf32>
    %swap3A = arith.constant 0 : index
    %swap3A_6 = arith.constant 0 : index
    %swap3A_7 = vector.load %arg3[%swap3A, %swap3A_6] : memref<8192x128xf32, #tpu.memory_space<vmem>>, vector<8192x64xf32>
    tpu.vector_store %arg3[%swap3A, %swap3A_6], %dot_general3A_5 {strides = array<i32>} : memref<8192x128xf32, #tpu.memory_space<vmem>>, vector<8192x64xf32>,
    %slice3A_8 = vector.extract_strided_slice %convert_element_type3A {offsets = [0, 8192], sizes = [64, 8192], strides = [1, 1]} : vector<64x16384xbf16> to vector<64x8192xbf16>
    %dot_general3A_9 = arith.constant dense<0.000000e+00> : vector<8192x64xf32>
    %dot_general3A_10 = tpu.matmul %slice3A_8, %get3A_4, %dot_general3A_9 {dimension_numbers = #tpu.dot_dimension_numbers<[0], [0], [1], [1], [0, 1, 1, 1], [], []>, transpose_lhs_hint = false} : vector<64x8192xbf16>, vector<64x64xbf16>, vector<8192x64xf32> -> vector<8192x64xf32>
    %swap3A_11 = arith.constant 0 : index
    %swap3A_12 = arith.constant 64 : index
    %swap3A_13 = vector.load %arg3[%swap3A_11, %swap3A_12] : memref<8192x128xf32, #tpu.memory_space<vmem>>, vector<8192x64xf32>
    tpu.vector_store %arg3[%swap3A_11, %swap3A_12], %dot_general3A_10 {strides = array<i32>} : memref<8192x128xf32, #tpu.memory_space<vmem>>, vector<8192x64xf32>,
    return
  }
  func.func @transform_0(%arg0: i32) -> (i32, i32) {
    %c0_i32 = arith.constant 0 : i32
    %c0_i32_0 = arith.constant 0 : i32
    return %c0_i32, %arg0 : i32, i32
  }
  func.func @transform_1(%arg0: i32) -> (i32, i32) {
    %c0_i32 = arith.constant 0 : i32
    %c0_i32_0 = arith.constant 0 : i32
    %c0_i32_1 = arith.constant 0 : i32
    return %c0_i32, %c0_i32_0 : i32, i32
  }
  func.func @transform_2(%arg0: i32) -> (i32, i32) {
    %c0_i32 = arith.constant 0 : i32
    %c0_i32_0 = arith.constant 0 : i32
    return %arg0, %c0_i32 : i32, i32
  }
}

module attributes {stable_mosaic.version = 14 : i64} {
  func.func @_mlp_body(%arg0: i32, %arg1: memref<1024x64xf32, #tpu.memory_space<vmem>>, %arg2: memref<64x64xf32, #tpu.memory_space<vmem>>, %arg3: memref<1x64xf32, #tpu.memory_space<vmem>>, %arg4: memref<128x64xf32, #tpu.memory_space<vmem>>, %arg5: memref<1x128xf32, #tpu.memory_space<vmem>>, %arg6: memref<1024x128xf32, #tpu.memory_space<vmem>>) attributes {dimension_semantics = [#tpu.dimension_semantics<arbitrary>], iteration_bounds = array<i64: 4>, scalar_prefetch = 0 : i64, scratch_operands = 0 : i64, tpu.core_type = #tpu.core_type<tc>, window_params = [{transform_indices = @transform_0, window_bounds = array<i64: 1024, 64>}, {pipeline_mode = #tpu.pipeline_mode<synchronous>, transform_indices = @transform_1, window_bounds = array<i64: 64, 64>}, {pipeline_mode = #tpu.pipeline_mode<synchronous>, transform_indices = @transform_2, window_bounds = array<i64: 1, 64>}, {pipeline_mode = #tpu.pipeline_mode<synchronous>, transform_indices = @transform_3, window_bounds = array<i64: 128, 64>}, {pipeline_mode = #tpu.pipeline_mode<synchronous>, transform_indices = @transform_4, window_bounds = array<i64: 1, 128>}, {transform_indices = @transform_5, window_bounds = array<i64: 1024, 128>}]} {
    %get3A = arith.constant 0 : index
    %get3A_0 = arith.constant 0 : index
    %get3A_1 = vector.load %arg1[%get3A, %get3A_0] : memref<1024x64xf32, #tpu.memory_space<vmem>>, vector<1024x64xf32>
    %get3A_2 = arith.constant 0 : index
    %get3A_3 = arith.constant 0 : index
    %get3A_4 = vector.load %arg2[%get3A_2, %get3A_3] : memref<64x64xf32, #tpu.memory_space<vmem>>, vector<64x64xf32>
    %dot_general3A = arith.constant dense<0.000000e+00> : vector<1024x64xf32>
    %dot_general3A_5 = tpu.matmul %get3A_1, %get3A_4, %dot_general3A {dimension_numbers = #tpu.dot_dimension_numbers<[1], [1], [0], [0], [0, 0, 1, 0], [], []>, transpose_lhs_hint = false} : vector<1024x64xf32>, vector<64x64xf32>, vector<1024x64xf32> -> vector<1024x64xf32>
    %get3A_6 = arith.constant 0 : index
    %get3A_7 = arith.constant 0 : index
    %get3A_8 = vector.load %arg3[%get3A_6, %get3A_7] : memref<1x64xf32, #tpu.memory_space<vmem>>, vector<1x64xf32>
    %add3A = vector.broadcast %get3A_8 : vector<1x64xf32> to vector<1024x64xf32>
    %add3A_9 = arith.addf %dot_general3A_5, %add3A : vector<1024x64xf32>
    %tanh3A = math.tanh %add3A_9 : vector<1024x64xf32>
    %get3A_10 = arith.constant 0 : index
    %get3A_11 = arith.constant 0 : index
    %get3A_12 = vector.load %arg4[%get3A_10, %get3A_11] : memref<128x64xf32, #tpu.memory_space<vmem>>, vector<128x64xf32>
    %dot_general3A_13 = arith.constant dense<0.000000e+00> : vector<1024x128xf32>
    %dot_general3A_14 = tpu.matmul %tanh3A, %get3A_12, %dot_general3A_13 {dimension_numbers = #tpu.dot_dimension_numbers<[1], [1], [0], [0], [0, 0, 1, 0], [], []>, transpose_lhs_hint = false} : vector<1024x64xf32>, vector<128x64xf32>, vector<1024x128xf32> -> vector<1024x128xf32>
    %get3A_15 = arith.constant 0 : index
    %get3A_16 = arith.constant 0 : index
    %get3A_17 = vector.load %arg5[%get3A_15, %get3A_16] : memref<1x128xf32, #tpu.memory_space<vmem>>, vector<1x128xf32>
    %add3A_18 = vector.broadcast %get3A_17 : vector<1x128xf32> to vector<1024x128xf32>
    %add3A_19 = arith.addf %dot_general3A_14, %add3A_18 : vector<1024x128xf32>
    %swap3A = arith.constant 0 : index
    %swap3A_20 = arith.constant 0 : index
    %swap3A_21 = vector.load %arg6[%swap3A, %swap3A_20] : memref<1024x128xf32, #tpu.memory_space<vmem>>, vector<1024x128xf32>
    tpu.vector_store %arg6[%swap3A, %swap3A_20], %add3A_19 {strides = array<i32>} : memref<1024x128xf32, #tpu.memory_space<vmem>>, vector<1024x128xf32>,
    return
  }
  func.func @transform_0(%arg0: i32) -> (i32, i32) {
    %c0_i32 = arith.constant 0 : i32
    %c0_i32_0 = arith.constant 0 : i32
    return %arg0, %c0_i32 : i32, i32
  }
  func.func @transform_1(%arg0: i32) -> (i32, i32) {
    %c0_i32 = arith.constant 0 : i32
    %c0_i32_0 = arith.constant 0 : i32
    %c0_i32_1 = arith.constant 0 : i32
    return %c0_i32, %c0_i32_0 : i32, i32
  }
  func.func @transform_2(%arg0: i32) -> (i32, i32) {
    %c0_i32 = arith.constant 0 : i32
    %c0_i32_0 = arith.constant 0 : i32
    %c0_i32_1 = arith.constant 0 : i32
    return %c0_i32, %c0_i32_0 : i32, i32
  }
  func.func @transform_3(%arg0: i32) -> (i32, i32) {
    %c0_i32 = arith.constant 0 : i32
    %c0_i32_0 = arith.constant 0 : i32
    %c0_i32_1 = arith.constant 0 : i32
    return %c0_i32, %c0_i32_0 : i32, i32
  }
  func.func @transform_4(%arg0: i32) -> (i32, i32) {
    %c0_i32 = arith.constant 0 : i32
    %c0_i32_0 = arith.constant 0 : i32
    %c0_i32_1 = arith.constant 0 : i32
    return %c0_i32, %c0_i32_0 : i32, i32
  }
  func.func @transform_5(%arg0: i32) -> (i32, i32) {
    %c0_i32 = arith.constant 0 : i32
    %c0_i32_0 = arith.constant 0 : i32
    return %arg0, %c0_i32 : i32, i32
  }
}

</mosaic_0001>

<sc_bundles>
// kernel: kernel.5.cloned.1.call-start
scs
__scs_entry_jumppad:
0x0: {  	(pc) =	sbr.rel $0x88, $3  }
0x1: {  	(tag) =	ssettag $0x0;
	lr =	simm.s32 $0x1  }
0x2: {  	[smem:$0x3F9B] =	sst lr;
	_ =	strace $0xD0000000  }
0x3: {  	_ = 	snop  }
0x4: {  	_ = 	snop  }
0x5: {  	_ = 	snop  }
0x6: {  	_ = 	snop  }
0x7: {  	_ = 	snop  }
__scs_overlays_trampoline_lowered:
0x8: {  	[smem:$0x3FAA] =	sst s0  }
0x9: {  	[smem:$0x3FAB] =	sst s1  }
0xa: {  	[smem:$0x3FAC] =	sst s2  }
0xb: {  	[smem:$0x3FAD] =	sst s3  }
0xc: {  	[smem:$0x3FAE] =	sst s4  }
0xd: {  	[smem:$0x3FAF] =	sst s5  }
0xe: {  	[smem:$0x3FB0] =	sst s6  }
0xf: {  	[smem:$0x3FB1] =	sst s7  }
0x10: {  	[smem:$0x3FB2] =	sst s8  }
0x11: {  	[smem:$0x3FB3] =	sst s9;
	s0 =	simm.s32 @!p0 $0x0  }
0x12: {  	s1 =	sld [smem:$0x3F99];
	s0 =	simm.s32 @p0 $0x1  }
0x13: {  	[smem:$0x3FB4] =	sst s0;
	s0 =	simm.s32 @!p1 $0x0  }
0x14: {  	s2 =	sld [smem:$0x3F98];
	s0 =	simm.s32 @p1 $0x1  }
0x15: {  	[smem:$0x3FB5] =	sst s0;
	s0 =	simm.s32 @!p2 $0x0  }
0x16: {  	s3 =	sld [smem:$0x3FDB];
	s0 =	simm.s32 @p2 $0x1  }
0x17: {  	s4 =	simm.s32 $0x1BF5;
	[smem:$0x3FB7] =	sst s0  }
0x18: {  	s0 =	sld [smem:$0x3F9A];
	_ =	swait.ge [sflag:s4], $0x0  }
0x19: {  	s7 =	sld [smem:$0x3F9B]  }
0x1a: {  	s8 =	sadd.s32 $0xFFFFE003, lr  }
0x1b: {  	s9 =	sadd.s32 $0xFFFFFEF7, lr;
	s5 =	simm.s32 $0xFFFFFFFF;
	p2 =	slt.u32 s8, $0xFFFFF086  }
0x1c: {  	p1 =	slt.u32 s9, $0xF7A;
	s5 =	simm.s32 @!p2 $0x0  }
0x1d: {  	s5 =	simm.s32 @p1 $0x1;
	p0 =	seq.s32 s7, s2  }
0x1e: {  	s7 =	smul.u32 @!p0 $0xF7A, s2;
	p2 =	seq.s32 @!p0 s5, $0x0  }
0x1f: {  	s9 =	smul.u32 $0xF7A, s1;
	s8 =	simm.s32 @!p0 $0x1BF5;
	p2 =	por !p2, p0  }
0x20: {  	[sflag:s8] =	ssyncset.s32 @!p0 $0xFFFFF086;
	s6 =	sadd.s32 @!p0 s3, s7;
	s7 =	simm.s32 @!p0 $0x108  }
0x21: {  	s3 =	sadd.s32 s3, s9;
	s6 =	sadd.s32 @!p0 $0x88, s6;
	s7 =	simm.s32 @p2 $0x1082  }
0x22: {  	[simem:s7], [sflag:s8] =	dma.local @!p0 [hbm:s6], $0xF7A  }
0x23: {  	s9 =	sor.u32 $0xD0000000, s2;
	s6 =	simm.s32 $0x108;
	_ =	swait.ge @!p0 [sflag:s8], $0x0  }
0x24: {  	s3 =	sadd.s32 $0x88, s3;
	s6 =	simm.s32 @!p1 $0x1082;
	[sflag:s4] =	ssyncset.s32 $0xFFFFF086  }
0x25: {  	[simem:s6], [sflag:s4] =	dma.local [hbm:s3], $0xF7A  }
0x26: {  	[smem:$0x3F9B] =	sst s1;
	(tag) =	ssettag s2;
	_ =	strace s9  }
0x27: {  	s1 =	sld [smem:$0x3FAB]  }
0x28: {  	s2 =	sld [smem:$0x3FAC]  }
0x29: {  	s4 =	sld [smem:$0x3FAE]  }
0x2a: {  	p0 =	seq.s32 s5, $0x0;
	s5 =	sld [smem:$0x3FAF]  }
0x2b: {  	s6 =	sld [smem:$0x3FB0]  }
0x2c: {  	s7 =	sld [smem:$0x3FB1]  }
0x2d: {  	s3 =	simm.s32 $0x108;
	s8 =	sld [smem:$0x3FB2]  }
0x2e: {  	s3 =	simm.s32 @!p0 $0x1082;
	s9 =	sld [smem:$0x3FB3]  }
0x2f: {  	lr =	sadd.s32 s0, s3;
	s0 =	sld [smem:$0x3FAA]  }
0x30: {  	s3 =	sld [smem:$0x3FAD]  }
0x31: {  	[smem:$0x3FB6] =	sst s10  }
0x32: {  	s10 =	sld [smem:$0x3FB4];
	_ =	sdelay $0x3  }
0x33: {  	p0 =	seq.s32 s10, $0x1;
	s10 =	sld [smem:$0x3FB6];
	_ =	sdelay $0x3  }
0x34: {  	[smem:$0x3FB6] =	sst s10  }
0x35: {  	s10 =	sld [smem:$0x3FB5];
	_ =	sdelay $0x3  }
0x36: {  	p1 =	seq.s32 s10, $0x1;
	s10 =	sld [smem:$0x3FB6];
	_ =	sdelay $0x3  }
0x37: {  	[smem:$0x3FB6] =	sst s10  }
0x38: {  	s10 =	sld [smem:$0x3FB7]  }
0x39: {  	_ = 	snop;
	(pc) =	sbr.ind lr, $3  }
0x3a: {  	_ = 	snop  }
0x3b: {  	_ = 	snop  }
0x3c: {  	p2 =	seq.s32 s10, $0x1;
	s10 =	sld [smem:$0x3FB6]  }
0x3d: {  	_ =	shalt  }
0x3e: {  	_ =	shalt  }
0x3f: {  	_ =	shalt  }
0x40: {  	_ =	shalt  }
0x41: {  	_ =	shalt  }
0x42: {  	_ =	shalt  }
0x43: {  	_ =	shalt  }
0x44: {  	_ =	shalt  }
0x45: {  	_ =	shalt  }
0x46: {  	_ =	shalt  }
0x47: {  	_ =	shalt  }
0x48: {  	_ =	shalt  }
0x49: {  	_ =	shalt  }
0x4a: {  	_ =	shalt  }
0x4b: {  	_ =	shalt  }
0x4c: {  	_ =	shalt  }
0x4d: {  	_ =	shalt  }
0x4e: {  	_ =	shalt  }
0x4f: {  	_ =	shalt  }
0x50: {  	_ =	shalt  }
0x51: {  	_ =	shalt  }
0x52: {  	_ =	shalt  }
0x53: {  	_ =	shalt  }
0x54: {  	_ =	shalt  }
0x55: {  	_ =	shalt  }
0x56: {  	_ =	shalt  }
0x57: {  	_ =	shalt  }
0x58: {  	_ =	shalt  }
0x59: {  	_ =	shalt  }
0x5a: {  	_ =	shalt  }
0x5b: {  	_ =	shalt  }
0x5c: {  	_ =	shalt  }
0x5d: {  	_ =	shalt  }
0x5e: {  	_ =	shalt  }
0x5f: {  	_ =	shalt  }
0x60: {  	_ =	shalt  }
0x61: {  	_ =	shalt  }
0x62: {  	_ =	shalt  }
0x63: {  	_ =	shalt  }
0x64: {  	_ =	shalt  }
0x65: {  	_ =	shalt  }
0x66: {  	_ =	shalt  }
0x67: {  	_ =	shalt  }
0x68: {  	_ =	shalt  }
0x69: {  	_ =	shalt  }
0x6a: {  	_ =	shalt  }
0x6b: {  	_ =	shalt  }
0x6c: {  	_ =	shalt  }
0x6d: {  	_ =	shalt  }
0x6e: {  	_ =	shalt  }
0x6f: {  	_ =	shalt  }
0x70: {  	_ =	shalt  }
0x71: {  	_ =	shalt  }
0x72: {  	_ =	shalt  }
0x73: {  	_ =	shalt  }
0x74: {  	_ =	shalt  }
0x75: {  	_ =	shalt  }
0x76: {  	_ =	shalt  }
0x77: {  	_ =	shalt  }
0x78: {  	_ =	shalt  }
0x79: {  	_ =	shalt  }
0x7a: {  	_ =	shalt  }
0x7b: {  	_ =	shalt  }
0x7c: {  	_ =	shalt  }
0x7d: {  	_ =	shalt  }
0x7e: {  	_ =	shalt  }
0x7f: {  	_ =	shalt  }
0x80: {  	_ =	shalt  }
0x81: {  	_ =	shalt  }
0x82: {  	_ =	shalt  }
0x83: {  	_ =	shalt  }
0x84: {  	_ =	shalt  }
0x85: {  	_ =	shalt  }
0x86: {  	_ =	shalt  }
0x87: {  	_ =	shalt  }
.Lfunc_end0:
.L_simem_size_0:
called_computation_lowered:
.L_overlay_start_0:
0x88: {  	s2 =	sld [smem:$0x3FD9]  }
0x89: {  	s3 =	sld [smem:$0x3FFE];
	_ =	sdelay $0x1  }
0x8a: {  	s1 =	srdreg.scid  }
0x8b: {  	s0 =	sand.u32 $0x1, s1  }
0x8c: {  	s17 =	sshll.u32 s0, $0xA;
	s2 =	sadd.s32 s3, s2  }
0x8d: {  	s2 =	sadd.s32 s2, s17  }
0x8e: {  	[smem:$0x3FC2] =	sst s2  }
0x8f: {  	_ = 	snop  }
0x90: {  	s2 =	sld [smem:$0x3FD0];
	(tm) =	ssettm $0x1  }
0x91: {  	s18 =	sld [smem:$0x3FFB];
	_ =	sdelay $0x3  }
0x92: {  	_ =	strace s18  }
0x93: {  	s3 =	sld [smem:$0x3FFC];
	_ =	sdelay $0x3  }
0x94: {  	_ =	strace s3  }
0x95: {  	s3 =	sld [smem:$0x3FFD];
	_ =	sdelay $0x3  }
0x96: {  	_ =	strace s3  }
0x97: {  	_ =	strace $0x8FFFFFFF  }
0x98: {  	s19 =	sld [smem:$0x3FDB];
	_ =	sdelay $0x1  }
0x99: {  	s4 =	simm.s32 $_scs_section_size  }
0x9a: {  	s5 =	simm.s32 $_size__tile_overlayer_lowered;
	s6 =	simm.s32 $_tile_overlayer_lowered  }
0x9b: {  	s22 =	simm.s32 $0x1BFF;
	s21 =	sshll.u32 s6, $0x1;
	s3 =	sadd.s32 s4, s19  }
0x9c: {  	s7 =	simm.s32 $0x0;
	s20 =	sshll.u32 s5, $0x1;
	s5 =	sadd.s32 s21, s3  }
0x9d: {  	[timem:s7], [sflag:s22] =	dma.local [hbm:s5], s20  }
0x9e: {  	_ =	swait.ge [sflag:s22], s20  }
0x9f: {  	s4 =	ssub.s32 $0x0, s20;
	[sflag:s22] =	ssyncset.done $0x0  }
0xa0: {  	[sflag:s22] =	ssyncadd.s32 s4;
	_ =	sdelay $0x1  }
0xa1: {  	s23 =	simm.s32 $0x1B8B  }
0xa2: {  	_ =	swait.ge [sflag:s23], $0x1  }
0xa3: {  	[sflag:s23] =	ssyncset.done $0x0  }
0xa4: {  	s25 =	simm.s32 $0x1B8E;
	s24 =	sld [smem:$0x3FFE];
	[sflag:s23] =	ssyncadd.s32 $0xFFFFFFFF  }
0xa5: {  	s26 =	simm.s32 $execute0_lowered;
	[smem:$0x3FD2] =	sst s25  }
0xa6: {  	s5 =	sshll.u32 s26, $0x1;
	_ =	strace $0x80000046;
	[dreg:$0x1] =	wrdreg $0xFFFFFFFF  }
0xa7: {  	s28 =	simm.s32 $_size_execute0_lowered;
	s3 =	sadd.s32 s3, s5;
	[dreg:$0x0] =	wrdreg $0x0  }
0xa8: {  	s5 =	sshll.u32 s28, $0x1;
	[dreg:$0x2] =	wrdreg s3  }
0xa9: {  	[dreg:$0x3] =	wrdreg s5  }
0xaa: {  	[dreg:$0x4] =	wrdreg $0xC0  }
0xab: {  	_ =	task [dreg:s7], $0x5FFFF  }
0xac: {  	[dreg:$0x1] =	wrdreg $0xFFFFFFFF  }
0xad: {  	[dreg:$0x0] =	wrdreg $0x60  }
0xae: {  	[dreg:$0x2] =	wrdreg s24  }
0xaf: {  	[dreg:$0x3] =	wrdreg s2  }
0xb0: {  	[dreg:$0x4] =	wrdreg $0x9  }
0xb1: {  	_ =	task.clear_ibuf [dreg:s7], $0x5FFFF;
	_ =	strace $0x90000046  }
0xb2: {  	s29 =	simm.s32 $0x9;
	_ =	strace $0x80000048  }
0xb3: {  	_ =	swait.ge [sflag:s29], $0x1  }
0xb4: {  	[sflag:s29] =	ssyncadd.s32 $0xFFFFFFFF  }
0xb5: {  	_ =	strace $0x90000048  }
0xb6: {  	_ =	sfence  }
0xb7: {  	s30 =	sld [smem:$0x0];
	_ =	sdelay $0x2  }
0xb8: {  	s31 =	sshll.u32 s1, $0xD;
	s1 =	sshrl.u32 s1, $0x2  }
0xb9: {  	s3 =	sand.u32 $0x4000, s31;
	s1 =	sadd.s32 s1, s30  }
0xba: {  	s0 =	sor.u32 s3, s0;
	s1 =	sshll.u32 s1, $0x11  }
0xbb: {  	s0 =	sor.u32 s1, s0  }
0xbc: {  	s0 =	sadd.s32 $0x8F2B, s0  }
0xbd: {  	[sflag:s0] =	ssyncadd.remote.s32 $0x1  }
0xbe: {  	_ =	sfence.sel $0xFFFF  }
0xbf: {  	[dreg:$0x0] =	wrdreg $0xFFFFFFFF;
	(pc) =	sbr.abs _section_cstart, $3  }
0xc0: {  	[dreg:$0x1] =	wrdreg $0xFFFFFFFF  }
0xc1: {  	_ =	task.clear_ibuf [dreg:s7], $0x2FFFF;
	_ =	strace $0x9FFFFFFF  }
0xc2: {  	(tm) =	ssettm $0x7FFFFFFF  }
0xc3: {  	_ =	shalt  }
tec
execute0_lowered:
.L_overlay_start_1:
0x0: {  	(tag) =	ssettag $0x1  }
0x1: {  	s0 =	srdreg.scid  }
0x2: {  	s2 =	stileid.u32;
	s1 =	rddreg [dreg:$0x0]  }
0x3: {  	s5 =	rddreg [dreg:$0x1];
	s8 =	simm.s32 $0x68;
	s9 =	simm.s32 $0x6400  }
0x4: {  	s10 =	simm.s32 $0x60;
	s11 =	simm.s32 $0x7E00;
	s13 =	simm.s32 $0x9600  }
0x5: {  	s15 =	simm.s32 $0xB000;
	s16 =	simm.s32 $0x190;
	s17 =	simm.s32 $0xC800  }
0x6: {  	s18 =	simm.s32 $0x1F8;
	s19 =	simm.s32 $0xE200;
	s20 =	simm.s32 $0x258  }
0x7: {  	s21 =	simm.s32 $0xFA00;
	s22 =	simm.s32 $0x2C0;
	s23 =	simm.s32 $0x11400  }
0x8: {  	s24 =	simm.s32 $0x1;
	s25 =	simm.s32 $0x2;
	s26 =	simm.s32 $0x3  }
0x9: {  	s28 =	simm.s32 $0x4;
	s29 =	simm.s32 $0x12C00;
	s0 =	sand.u32 $0x1, s0  }
0xa: {  	s30 =	simm.s32 $0x0;
	s2 =	sshll.u32 s2, $0x8;
	s3 =	sshll.u32 s0, $0x7  }
0xb: {  	s0 =	ssub.s32 $0x2, s0;
	s4 =	sor.u32 s3, s2;
	s2 =	simm.s32 $0x0  }
0xc: {  	s31 =	sshrl.u32 s0, $0x1;
	s3 =	smul.u32 $0x19, s4;
	[smem:$0x7FF] =	sst s2  }
0xd: {  	s7 =	sshll.u32 s4, $0x3;
	s0 =	ssub.s32 s0, s31;
	_ =	strace $0x80000047  }
0xe: {  	s5 =	sadd.s32 s5, s7;
	s7 =	simm.s32 $0x5;
	s6 =	sadd.s32 s3, s1  }
0xf: {  	s3 =	sadd.s32 $0x19C00, s1;
	s4 =	sadd.s32 $0xC00, s6;
	s6 =	smax.u32 s0, $0x1  }
.LBB2_1:
0x10: {  	[tilespmem:s2], [sflag:$0x5] =	stream.linear.gather [hbm4b:s4+s2], $0x6400, $0x38;
	[tilespmem:$0x14C00] =	vst v63  }
0x11: {  	_ =	swait.ge [sflag:s7], $0x6400  }
0x12: {  	[sflag:s7] =	ssyncset.done $0x0  }
0x13: {  	[sflag:s7] =	ssyncadd.s32 $0xFFFF9C00  }
0x14: {  	[tilespmem:s9], [sflag:$0x1] =	stream.indirect.gather [hbm4b:s3+s8], $0x40, s2, s8, $0xb8;
	[tilespmem:$0x14C00] =	vst v63  }
0x15: {  	_ = 	snop  }
0x16: {  	[tilespmem:s11], [sflag:$0x1] =	stream.indirect.gather [hbm4b:s3+s10], $0x40, s8, s10, $0xb8;
	[tilespmem:$0x14C00] =	vst v63  }
0x17: {  	s0 =	simm.s32 $0xC8  }
0x18: {  	[tilespmem:s13], [sflag:$0x2] =	stream.indirect.gather [hbm4b:s3+s8], $0x40, s0, s8, $0xb8;
	[tilespmem:$0x14C00] =	vst v63  }
0x19: {  	s14 =	simm.s32 $0x130  }
0x1a: {  	[tilespmem:s15], [sflag:$0x2] =	stream.indirect.gather [hbm4b:s3+s10], $0x40, s14, s10, $0xb8;
	[tilespmem:$0x14C00] =	vst v63  }
0x1b: {  	_ = 	snop  }
0x1c: {  	[tilespmem:s17], [sflag:$0x3] =	stream.indirect.gather [hbm4b:s3+s8], $0x40, s16, s8, $0xb8;
	[tilespmem:$0x14C00] =	vst v63  }
0x1d: {  	_ = 	snop  }
0x1e: {  	[tilespmem:s19], [sflag:$0x3] =	stream.indirect.gather [hbm4b:s3+s10], $0x40, s18, s10, $0xb8;
	[tilespmem:$0x14C00] =	vst v63  }
0x1f: {  	_ = 	snop  }
0x20: {  	[tilespmem:s21], [sflag:$0x4] =	stream.indirect.gather [hbm4b:s3+s8], $0x40, s20, s8, $0xb8;
	[tilespmem:$0x14C00] =	vst v63  }
0x21: {  	s31 =	simm.s32 $0x0  }
0x22: {  	[tilespmem:s23], [sflag:$0x4] =	stream.indirect.gather [hbm4b:s3+s10], $0x40, s22, s10, $0xb8;
	[tilespmem:$0x14C00] =	vst v63  }
.LBB2_2:
0x23: {  	_ =	swait.ge [sflag:s24], $0x3200  }
0x24: {  	[sflag:s24] =	ssyncset.done $0x0  }
0x25: {  	s0 =	simm.s32 $0x0;
	[sflag:s24] =	ssyncadd.s32 $0xFFFFCE00  }
0x26: {  	v0 =	vld [tilespmem:s0+$0x64C0]  }
0x27: {  	v1 =	vld [tilespmem:s0+$0x64D0]  }
0x28: {  	v2 =	vld [tilespmem:s0+$0x6480]  }
0x29: {  	v3 =	vld [tilespmem:s0+$0x6490]  }
0x2a: {  	v4 =	vld [tilespmem:s0+$0x6440]  }
0x2b: {  	v5 =	vld [tilespmem:s0+$0x6450]  }
0x2c: {  	v10 =	vld [tilespmem:s0+$0x6400]  }
0x2d: {  	v6 =	vimm.f32 $0.0e+00;
	v12 =	vld [tilespmem:s0+$0x6410]  }
0x2e: {  	s1 =	simm.s32 $0x400;
	v9 =	vimm.f32 $0.0e+00;
	v8 =	vimm.f32 $0.0e+00;
	v7 =	vimm.f32 $0.0e+00;
	v11 =	vld [tilespmem:s0+$0x6420]  }
.LBB2_3:
0x2f: {  	p0 =	sne.s32 s1, $0xC400;
	v13 =	vld [tilespmem:s0+$0x6430]  }
0x30: {  	v14 =	vld [tilespmem:s0+$0x6460]  }
0x31: {  	v15 =	vld [tilespmem:s0+$0x6470]  }
0x32: {  	v16 =	vld [tilespmem:s0+$0x64A0]  }
0x33: {  	v6 =	vadd.f32 v10, v6;
	v9 =	vadd.f32 v12, v9;
	v10 =	vld [tilespmem:s0+$0x64B0]  }
0x34: {  	v8 =	vadd.f32 v11, v8;
	v7 =	vadd.f32 v13, v7;
	v11 =	vld [tilespmem:s0+$0x64E0]  }
0x35: {  	v4 =	vadd.f32 v4, v6;
	v5 =	vadd.f32 v5, v9;
	v12 =	vld [tilespmem:s0+$0x64F0];
	s0 =	sshra.s32 s1, $0x2  }
0x36: {  	v6 =	vadd.f32 v14, v8;
	v13 =	vld [tilespmem:s0+$0x64C0];
	v7 =	vadd.f32 v15, v7  }
0x37: {  	v4 =	vadd.f32 v2, v4;
	v5 =	vadd.f32 v3, v5;
	v14 =	vld [tilespmem:s0+$0x64D0]  }
0x38: {  	v8 =	vadd.f32 v16, v6;
	v2 =	vld [tilespmem:s0+$0x6480];
	v7 =	vadd.f32 v10, v7  }
0x39: {  	v6 =	vadd.f32 v0, v4;
	v9 =	vadd.f32 v1, v5;
	v3 =	vld [tilespmem:s0+$0x6490]  }
.Ltmp0:
0x3a: {  	v8 =	vadd.f32 v11, v8;
	v4 =	vld [tilespmem:s0+$0x6440];
	v7 =	vadd.f32 v12, v7;
	(pc) =	sbr.rel @p0 .LBB2_3-.Ltmp0, $4  }
0x3b: {  	v5 =	vld [tilespmem:s0+$0x6450];
	v0 =	vmov v13  }
0x3c: {  	v10 =	vld [tilespmem:s0+$0x6400];
	v1 =	vmov v14  }
0x3d: {  	v12 =	vld [tilespmem:s0+$0x6410]  }
0x3e: {  	s1 =	sadd.s32 $0x400, s1;
	v11 =	vld [tilespmem:s0+$0x6420]  }
0x3f: {  	v13 =	vld [tilespmem:s0+$0x6430]  }
0x40: {  	v14 =	vld [tilespmem:s0+$0x6460]  }
0x41: {  	v15 =	vld [tilespmem:s0+$0x6470];
	v6 =	vadd.f32 v10, v6  }
0x42: {  	v10 =	vld [tilespmem:s0+$0x64A0];
	v9 =	vadd.f32 v12, v9  }
0x43: {  	v12 =	vld [tilespmem:s0+$0x64B0];
	v8 =	vadd.f32 v11, v8;
	v4 =	vadd.f32 v4, v6  }
0x44: {  	v6 =	vadd.f32 v13, v7;
	v7 =	vld [tilespmem:s0+$0x64E0];
	v5 =	vadd.f32 v5, v9  }
0x45: {  	v9 =	vld [tilespmem:s0+$0x64F0];
	v8 =	vadd.f32 v14, v8;
	v2 =	vadd.f32 v2, v4  }
0x46: {  	v4 =	vadd.f32 v15, v6;
	v3 =	vadd.f32 v3, v5  }
0x47: {  	s1 =	sshll.u32 s31, $0x8;
	v5 =	vadd.f32 v10, v8;
	v0 =	vadd.f32 v0, v2  }
0x48: {  	s1 =	sand.u32 $0x3FFFFF00, s1;
	v2 =	vadd.f32 v12, v4;
	v1 =	vadd.f32 v1, v3  }
0x49: {  	s12 =	smul.u32 $0xC80, s31;
	v3 =	vadd.f32 v7, v5;
	[tilespmem:s1+$0x12C00] =	vst v0  }
0x4a: {  	v0 =	vadd.f32 v9, v2;
	[tilespmem:s1+$0x12C10] =	vst v1  }
0x4b: {  	s0 =	sshra.s32 s12, $0x2;
	[tilespmem:s1+$0x12C20] =	vst v3  }
0x4c: {  	s12 =	sadd.s32 $0x320, s0;
	[tilespmem:s1+$0x12C30] =	vst v0  }
0x4d: {  	[tilespmem:s9], [sflag:$0x1] =	stream.indirect.gather [hbm4b:s3+s8], $0x40, s12, s8, $0xb8;
	[tilespmem:$0x14C00] =	vst v63  }
0x4e: {  	s14 =	sadd.s32 $0x388, s0  }
0x4f: {  	[tilespmem:s11], [sflag:$0x1] =	stream.indirect.gather [hbm4b:s3+s10], $0x40, s14, s10, $0xb8;
	[tilespmem:$0x14C00] =	vst v63  }
0x50: {  	_ =	swait.ge [sflag:s25], $0x3200  }
0x51: {  	[sflag:s25] =	ssyncset.done $0x0  }
0x52: {  	s12 =	simm.s32 $0x0;
	[sflag:s25] =	ssyncadd.s32 $0xFFFFCE00  }
0x53: {  	v0 =	vld [tilespmem:s12+$0x96C0]  }
0x54: {  	v1 =	vld [tilespmem:s12+$0x96D0]  }
0x55: {  	v2 =	vld [tilespmem:s12+$0x9680]  }
0x56: {  	v3 =	vld [tilespmem:s12+$0x9690]  }
0x57: {  	v4 =	vld [tilespmem:s12+$0x9640]  }
0x58: {  	v5 =	vld [tilespmem:s12+$0x9650]  }
0x59: {  	v10 =	vld [tilespmem:s12+$0x9600]  }
0x5a: {  	v6 =	vimm.f32 $0.0e+00;
	v12 =	vld [tilespmem:s12+$0x9610]  }
0x5b: {  	v8 =	vimm.f32 $0.0e+00;
	v7 =	vimm.f32 $0.0e+00;
	v9 =	vimm.f32 $0.0e+00;
	s14 =	simm.s32 $0x400;
	v11 =	vld [tilespmem:s12+$0x9620]  }
.LBB2_5:
0x5c: {  	p0 =	sne.s32 s14, $0xC400;
	v13 =	vld [tilespmem:s12+$0x9630]  }
0x5d: {  	v14 =	vld [tilespmem:s12+$0x9660]  }
0x5e: {  	v15 =	vld [tilespmem:s12+$0x9670]  }
0x5f: {  	v16 =	vld [tilespmem:s12+$0x96A0]  }
0x60: {  	v6 =	vadd.f32 v10, v6;
	v9 =	vadd.f32 v12, v9;
	v10 =	vld [tilespmem:s12+$0x96B0]  }
0x61: {  	v8 =	vadd.f32 v11, v8;
	v7 =	vadd.f32 v13, v7;
	v11 =	vld [tilespmem:s12+$0x96E0]  }
0x62: {  	v4 =	vadd.f32 v4, v6;
	v5 =	vadd.f32 v5, v9;
	v12 =	vld [tilespmem:s12+$0x96F0];
	s12 =	sshra.s32 s14, $0x2  }
0x63: {  	v6 =	vadd.f32 v14, v8;
	v13 =	vld [tilespmem:s12+$0x96C0];
	v7 =	vadd.f32 v15, v7  }
0x64: {  	v4 =	vadd.f32 v2, v4;
	v5 =	vadd.f32 v3, v5;
	v14 =	vld [tilespmem:s12+$0x96D0]  }
0x65: {  	v8 =	vadd.f32 v16, v6;
	v2 =	vld [tilespmem:s12+$0x9680];
	v7 =	vadd.f32 v10, v7  }
0x66: {  	v6 =	vadd.f32 v0, v4;
	v9 =	vadd.f32 v1, v5;
	v3 =	vld [tilespmem:s12+$0x9690]  }
.Ltmp1:
0x67: {  	v8 =	vadd.f32 v11, v8;
	v4 =	vld [tilespmem:s12+$0x9640];
	v7 =	vadd.f32 v12, v7;
	(pc) =	sbr.rel @p0 .LBB2_5-.Ltmp1, $4  }
0x68: {  	v5 =	vld [tilespmem:s12+$0x9650];
	v0 =	vmov v13  }
0x69: {  	v10 =	vld [tilespmem:s12+$0x9600];
	v1 =	vmov v14  }
0x6a: {  	v12 =	vld [tilespmem:s12+$0x9610]  }
0x6b: {  	s14 =	sadd.s32 $0x400, s14;
	v11 =	vld [tilespmem:s12+$0x9620]  }
0x6c: {  	v13 =	vld [tilespmem:s12+$0x9630]  }
0x6d: {  	v14 =	vld [tilespmem:s12+$0x9660]  }
0x6e: {  	v15 =	vld [tilespmem:s12+$0x9670];
	v6 =	vadd.f32 v10, v6  }
0x6f: {  	v10 =	vld [tilespmem:s12+$0x96A0];
	v9 =	vadd.f32 v12, v9  }
0x70: {  	v12 =	vld [tilespmem:s12+$0x96B0];
	v8 =	vadd.f32 v11, v8;
	v4 =	vadd.f32 v4, v6  }
0x71: {  	v6 =	vadd.f32 v13, v7;
	v7 =	vld [tilespmem:s12+$0x96E0];
	v5 =	vadd.f32 v5, v9  }
0x72: {  	v9 =	vld [tilespmem:s12+$0x96F0];
	v8 =	vadd.f32 v14, v8;
	v2 =	vadd.f32 v2, v4  }
0x73: {  	v4 =	vadd.f32 v15, v6;
	v3 =	vadd.f32 v3, v5  }
0x74: {  	v5 =	vadd.f32 v10, v8;
	v0 =	vadd.f32 v0, v2  }
0x75: {  	v2 =	vadd.f32 v12, v4;
	v1 =	vadd.f32 v1, v3  }
0x76: {  	v3 =	vadd.f32 v7, v5;
	[tilespmem:s1+$0x12C40] =	vst v0  }
0x77: {  	v0 =	vadd.f32 v9, v2;
	[tilespmem:s1+$0x12C50] =	vst v1  }
0x78: {  	[tilespmem:s1+$0x12C60] =	vst v3  }
0x79: {  	s14 =	sadd.s32 $0x3E8, s0;
	[tilespmem:s1+$0x12C70] =	vst v0  }
0x7a: {  	[tilespmem:s13], [sflag:$0x2] =	stream.indirect.gather [hbm4b:s3+s8], $0x40, s14, s8, $0xb8;
	[tilespmem:$0x14C00] =	vst v63  }
0x7b: {  	s14 =	sadd.s32 $0x450, s0  }
0x7c: {  	[tilespmem:s15], [sflag:$0x2] =	stream.indirect.gather [hbm4b:s3+s10], $0x40, s14, s10, $0xb8;
	[tilespmem:$0x14C00] =	vst v63  }
0x7d: {  	_ =	swait.ge [sflag:s26], $0x3200  }
0x7e: {  	[sflag:s26] =	ssyncset.done $0x0  }
0x7f: {  	s12 =	simm.s32 $0x0;
	[sflag:s26] =	ssyncadd.s32 $0xFFFFCE00  }
0x80: {  	v0 =	vld [tilespmem:s12+$0xC8C0]  }
0x81: {  	v1 =	vld [tilespmem:s12+$0xC8D0]  }
0x82: {  	v2 =	vld [tilespmem:s12+$0xC880]  }
0x83: {  	v3 =	vld [tilespmem:s12+$0xC890]  }
0x84: {  	v4 =	vld [tilespmem:s12+$0xC840]  }
0x85: {  	v5 =	vld [tilespmem:s12+$0xC850]  }
0x86: {  	v10 =	vld [tilespmem:s12+$0xC800]  }
0x87: {  	v6 =	vimm.f32 $0.0e+00;
	v12 =	vld [tilespmem:s12+$0xC810]  }
0x88: {  	v8 =	vimm.f32 $0.0e+00;
	v7 =	vimm.f32 $0.0e+00;
	v9 =	vimm.f32 $0.0e+00;
	s14 =	simm.s32 $0x400;
	v11 =	vld [tilespmem:s12+$0xC820]  }
.LBB2_7:
0x89: {  	p0 =	sne.s32 s14, $0xC400;
	v13 =	vld [tilespmem:s12+$0xC830]  }
0x8a: {  	v14 =	vld [tilespmem:s12+$0xC860]  }
0x8b: {  	v15 =	vld [tilespmem:s12+$0xC870]  }
0x8c: {  	v16 =	vld [tilespmem:s12+$0xC8A0]  }
0x8d: {  	v6 =	vadd.f32 v10, v6;
	v9 =	vadd.f32 v12, v9;
	v10 =	vld [tilespmem:s12+$0xC8B0]  }
0x8e: {  	v8 =	vadd.f32 v11, v8;
	v7 =	vadd.f32 v13, v7;
	v11 =	vld [tilespmem:s12+$0xC8E0]  }
0x8f: {  	v4 =	vadd.f32 v4, v6;
	v5 =	vadd.f32 v5, v9;
	v12 =	vld [tilespmem:s12+$0xC8F0];
	s12 =	sshra.s32 s14, $0x2  }
0x90: {  	v6 =	vadd.f32 v14, v8;
	v13 =	vld [tilespmem:s12+$0xC8C0];
	v7 =	vadd.f32 v15, v7  }
0x91: {  	v4 =	vadd.f32 v2, v4;
	v5 =	vadd.f32 v3, v5;
	v14 =	vld [tilespmem:s12+$0xC8D0]  }
0x92: {  	v8 =	vadd.f32 v16, v6;
	v2 =	vld [tilespmem:s12+$0xC880];
	v7 =	vadd.f32 v10, v7  }
0x93: {  	v6 =	vadd.f32 v0, v4;
	v9 =	vadd.f32 v1, v5;
	v3 =	vld [tilespmem:s12+$0xC890]  }
.Ltmp2:
0x94: {  	v8 =	vadd.f32 v11, v8;
	v4 =	vld [tilespmem:s12+$0xC840];
	v7 =	vadd.f32 v12, v7;
	(pc) =	sbr.rel @p0 .LBB2_7-.Ltmp2, $4  }
0x95: {  	v5 =	vld [tilespmem:s12+$0xC850];
	v0 =	vmov v13  }
0x96: {  	v10 =	vld [tilespmem:s12+$0xC800];
	v1 =	vmov v14  }
0x97: {  	v12 =	vld [tilespmem:s12+$0xC810]  }
0x98: {  	s14 =	sadd.s32 $0x400, s14;
	v11 =	vld [tilespmem:s12+$0xC820]  }
0x99: {  	v13 =	vld [tilespmem:s12+$0xC830]  }
0x9a: {  	v14 =	vld [tilespmem:s12+$0xC860]  }
0x9b: {  	v15 =	vld [tilespmem:s12+$0xC870];
	v6 =	vadd.f32 v10, v6  }
0x9c: {  	v10 =	vld [tilespmem:s12+$0xC8A0];
	v9 =	vadd.f32 v12, v9  }
0x9d: {  	v12 =	vld [tilespmem:s12+$0xC8B0];
	v8 =	vadd.f32 v11, v8;
	v4 =	vadd.f32 v4, v6  }
0x9e: {  	v6 =	vadd.f32 v13, v7;
	v7 =	vld [tilespmem:s12+$0xC8E0];
	v5 =	vadd.f32 v5, v9  }
0x9f: {  	v9 =	vld [tilespmem:s12+$0xC8F0];
	v8 =	vadd.f32 v14, v8;
	v2 =	vadd.f32 v2, v4  }
0xa0: {  	v4 =	vadd.f32 v15, v6;
	v3 =	vadd.f32 v3, v5  }
0xa1: {  	v5 =	vadd.f32 v10, v8;
	v0 =	vadd.f32 v0, v2  }
0xa2: {  	v2 =	vadd.f32 v12, v4;
	v1 =	vadd.f32 v1, v3  }
0xa3: {  	v3 =	vadd.f32 v7, v5;
	[tilespmem:s1+$0x12C80] =	vst v0  }
0xa4: {  	v0 =	vadd.f32 v9, v2;
	[tilespmem:s1+$0x12C90] =	vst v1  }
0xa5: {  	[tilespmem:s1+$0x12CA0] =	vst v3  }
0xa6: {  	s14 =	sadd.s32 $0x4B0, s0;
	[tilespmem:s1+$0x12CB0] =	vst v0  }
0xa7: {  	[tilespmem:s17], [sflag:$0x3] =	stream.indirect.gather [hbm4b:s3+s8], $0x40, s14, s8, $0xb8;
	[tilespmem:$0x14C00] =	vst v63  }
0xa8: {  	s14 =	sadd.s32 $0x518, s0  }
0xa9: {  	[tilespmem:s19], [sflag:$0x3] =	stream.indirect.gather [hbm4b:s3+s10], $0x40, s14, s10, $0xb8;
	[tilespmem:$0x14C00] =	vst v63  }
0xaa: {  	_ =	swait.ge [sflag:s28], $0x3200  }
0xab: {  	[sflag:s28] =	ssyncset.done $0x0  }
0xac: {  	s12 =	simm.s32 $0x0;
	[sflag:s28] =	ssyncadd.s32 $0xFFFFCE00  }
0xad: {  	v0 =	vld [tilespmem:s12+$0xFAC0]  }
0xae: {  	v1 =	vld [tilespmem:s12+$0xFAD0]  }
0xaf: {  	v2 =	vld [tilespmem:s12+$0xFA80]  }
0xb0: {  	v3 =	vld [tilespmem:s12+$0xFA90]  }
0xb1: {  	v4 =	vld [tilespmem:s12+$0xFA40]  }
0xb2: {  	v5 =	vld [tilespmem:s12+$0xFA50]  }
0xb3: {  	v10 =	vld [tilespmem:s12+$0xFA00]  }
0xb4: {  	v6 =	vimm.f32 $0.0e+00;
	v12 =	vld [tilespmem:s12+$0xFA10]  }
0xb5: {  	v8 =	vimm.f32 $0.0e+00;
	v7 =	vimm.f32 $0.0e+00;
	v9 =	vimm.f32 $0.0e+00;
	s14 =	simm.s32 $0x400;
	v11 =	vld [tilespmem:s12+$0xFA20]  }
.LBB2_9:
0xb6: {  	p0 =	sne.s32 s14, $0xC400;
	v13 =	vld [tilespmem:s12+$0xFA30]  }
0xb7: {  	v14 =	vld [tilespmem:s12+$0xFA60]  }
0xb8: {  	v15 =	vld [tilespmem:s12+$0xFA70]  }
0xb9: {  	v16 =	vld [tilespmem:s12+$0xFAA0]  }
0xba: {  	v6 =	vadd.f32 v10, v6;
	v9 =	vadd.f32 v12, v9;
	v10 =	vld [tilespmem:s12+$0xFAB0]  }
0xbb: {  	v8 =	vadd.f32 v11, v8;
	v7 =	vadd.f32 v13, v7;
	v11 =	vld [tilespmem:s12+$0xFAE0]  }
0xbc: {  	v4 =	vadd.f32 v4, v6;
	v5 =	vadd.f32 v5, v9;
	v12 =	vld [tilespmem:s12+$0xFAF0];
	s12 =	sshra.s32 s14, $0x2  }
0xbd: {  	v6 =	vadd.f32 v14, v8;
	v13 =	vld [tilespmem:s12+$0xFAC0];
	v7 =	vadd.f32 v15, v7  }
0xbe: {  	v4 =	vadd.f32 v2, v4;
	v5 =	vadd.f32 v3, v5;
	v14 =	vld [tilespmem:s12+$0xFAD0]  }
0xbf: {  	v8 =	vadd.f32 v16, v6;
	v2 =	vld [tilespmem:s12+$0xFA80];
	v7 =	vadd.f32 v10, v7  }
0xc0: {  	v6 =	vadd.f32 v0, v4;
	v9 =	vadd.f32 v1, v5;
	v3 =	vld [tilespmem:s12+$0xFA90]  }
.Ltmp3:
0xc1: {  	v8 =	vadd.f32 v11, v8;
	v4 =	vld [tilespmem:s12+$0xFA40];
	v7 =	vadd.f32 v12, v7;
	(pc) =	sbr.rel @p0 .LBB2_9-.Ltmp3, $4  }
0xc2: {  	v5 =	vld [tilespmem:s12+$0xFA50];
	v0 =	vmov v13  }
0xc3: {  	v10 =	vld [tilespmem:s12+$0xFA00];
	v1 =	vmov v14  }
0xc4: {  	v12 =	vld [tilespmem:s12+$0xFA10]  }
0xc5: {  	s14 =	sadd.s32 $0x400, s14;
	v11 =	vld [tilespmem:s12+$0xFA20]  }
0xc6: {  	v13 =	vld [tilespmem:s12+$0xFA30]  }
0xc7: {  	v14 =	vld [tilespmem:s12+$0xFA60]  }
0xc8: {  	v15 =	vld [tilespmem:s12+$0xFA70];
	v6 =	vadd.f32 v10, v6  }
0xc9: {  	v54 =	vld [tilespmem:s12+$0xFAA0];
	v9 =	vadd.f32 v12, v9  }
0xca: {  	v55 =	vld [tilespmem:s12+$0xFAB0];
	v8 =	vadd.f32 v11, v8;
	v4 =	vadd.f32 v4, v6  }
0xcb: {  	v57 =	vld [tilespmem:s12+$0xFAE0];
	v56 =	vadd.f32 v13, v7;
	v5 =	vadd.f32 v5, v9  }
0xcc: {  	v58 =	vld [tilespmem:s12+$0xFAF0];
	v8 =	vadd.f32 v14, v8;
	v2 =	vadd.f32 v2, v4  }
0xcd: {  	v59 =	vadd.f32 v15, v56;
	v3 =	vadd.f32 v3, v5  }
0xce: {  	v60 =	vadd.f32 v54, v8;
	v0 =	vadd.f32 v0, v2  }
0xcf: {  	v61 =	vadd.f32 v55, v59;
	v1 =	vadd.f32 v1, v3  }
0xd0: {  	s31 =	sadd.s32 $0x1, s31;
	v62 =	vadd.f32 v57, v60;
	[tilespmem:s1+$0x12CC0] =	vst v0  }
0xd1: {  	p0 =	sne.s32 s31, $0x1F;
	v63 =	vadd.f32 v58, v61;
	[tilespmem:s1+$0x12CD0] =	vst v1  }
.Ltmp4:
0xd2: {  	[tilespmem:s1+$0x12CE0] =	vst v62;
	(pc) =	sbr.rel @p0 .LBB2_2-.Ltmp4, $4  }
0xd3: {  	s12 =	sadd.s32 $0x578, s0;
	[tilespmem:s1+$0x12CF0] =	vst v63  }
0xd4: {  	[tilespmem:s21], [sflag:$0x4] =	stream.indirect.gather [hbm4b:s3+s8], $0x40, s12, s8, $0xb8;
	[tilespmem:$0x14C00] =	vst v63  }
0xd5: {  	s14 =	sadd.s32 $0x5E0, s0  }
0xd6: {  	[tilespmem:s23], [sflag:$0x4] =	stream.indirect.gather [hbm4b:s3+s10], $0x40, s14, s10, $0xb8;
	[tilespmem:$0x14C00] =	vst v63  }
0xd7: {  	_ =	swait.ge [sflag:s24], $0x3200  }
0xd8: {  	[sflag:s24] =	ssyncset.done $0x0  }
0xd9: {  	s0 =	simm.s32 $0x0;
	[sflag:s24] =	ssyncadd.s32 $0xFFFFCE00  }
0xda: {  	v0 =	vld [tilespmem:s0+$0x64C0]  }
0xdb: {  	v1 =	vld [tilespmem:s0+$0x64D0]  }
0xdc: {  	v2 =	vld [tilespmem:s0+$0x6480]  }
0xdd: {  	v3 =	vld [tilespmem:s0+$0x6490]  }
0xde: {  	v4 =	vld [tilespmem:s0+$0x6440]  }
0xdf: {  	v5 =	vld [tilespmem:s0+$0x6450]  }
0xe0: {  	v10 =	vld [tilespmem:s0+$0x6400]  }
0xe1: {  	v6 =	vimm.f32 $0.0e+00;
	v12 =	vld [tilespmem:s0+$0x6410]  }
0xe2: {  	s1 =	simm.s32 $0x400;
	v9 =	vimm.f32 $0.0e+00;
	v8 =	vimm.f32 $0.0e+00;
	v7 =	vimm.f32 $0.0e+00;
	v11 =	vld [tilespmem:s0+$0x6420]  }
.LBB2_12:
0xe3: {  	p0 =	sne.s32 s1, $0xC400;
	v13 =	vld [tilespmem:s0+$0x6430]  }
0xe4: {  	v14 =	vld [tilespmem:s0+$0x6460]  }
0xe5: {  	v15 =	vld [tilespmem:s0+$0x6470]  }
0xe6: {  	v16 =	vld [tilespmem:s0+$0x64A0]  }
0xe7: {  	v6 =	vadd.f32 v10, v6;
	v9 =	vadd.f32 v12, v9;
	v10 =	vld [tilespmem:s0+$0x64B0]  }
0xe8: {  	v8 =	vadd.f32 v11, v8;
	v7 =	vadd.f32 v13, v7;
	v11 =	vld [tilespmem:s0+$0x64E0]  }
0xe9: {  	v4 =	vadd.f32 v4, v6;
	v5 =	vadd.f32 v5, v9;
	v12 =	vld [tilespmem:s0+$0x64F0];
	s0 =	sshra.s32 s1, $0x2  }
0xea: {  	v6 =	vadd.f32 v14, v8;
	v13 =	vld [tilespmem:s0+$0x64C0];
	v7 =	vadd.f32 v15, v7  }
0xeb: {  	v4 =	vadd.f32 v2, v4;
	v5 =	vadd.f32 v3, v5;
	v14 =	vld [tilespmem:s0+$0x64D0]  }
0xec: {  	v8 =	vadd.f32 v16, v6;
	v2 =	vld [tilespmem:s0+$0x6480];
	v7 =	vadd.f32 v10, v7  }
0xed: {  	v6 =	vadd.f32 v0, v4;
	v9 =	vadd.f32 v1, v5;
	v3 =	vld [tilespmem:s0+$0x6490]  }
.Ltmp5:
0xee: {  	v8 =	vadd.f32 v11, v8;
	v4 =	vld [tilespmem:s0+$0x6440];
	v7 =	vadd.f32 v12, v7;
	(pc) =	sbr.rel @p0 .LBB2_12-.Ltmp5, $4  }
0xef: {  	v5 =	vld [tilespmem:s0+$0x6450];
	v0 =	vmov v13  }
0xf0: {  	v10 =	vld [tilespmem:s0+$0x6400];
	v1 =	vmov v14  }
0xf1: {  	v12 =	vld [tilespmem:s0+$0x6410]  }
0xf2: {  	s1 =	sadd.s32 $0x400, s1;
	v11 =	vld [tilespmem:s0+$0x6420]  }
0xf3: {  	v13 =	vld [tilespmem:s0+$0x6430]  }
0xf4: {  	v14 =	vld [tilespmem:s0+$0x6460]  }
0xf5: {  	v15 =	vld [tilespmem:s0+$0x6470];
	v6 =	vadd.f32 v10, v6  }
0xf6: {  	v10 =	vld [tilespmem:s0+$0x64A0];
	v9 =	vadd.f32 v12, v9  }
0xf7: {  	v12 =	vld [tilespmem:s0+$0x64B0];
	v8 =	vadd.f32 v11, v8;
	v4 =	vadd.f32 v4, v6  }
0xf8: {  	v6 =	vadd.f32 v13, v7;
	v7 =	vld [tilespmem:s0+$0x64E0];
	v5 =	vadd.f32 v5, v9  }
0xf9: {  	v9 =	vld [tilespmem:s0+$0x64F0];
	v8 =	vadd.f32 v14, v8;
	v2 =	vadd.f32 v2, v4  }
0xfa: {  	v4 =	vadd.f32 v15, v6;
	v3 =	vadd.f32 v3, v5  }
0xfb: {  	v5 =	vadd.f32 v10, v8;
	v0 =	vadd.f32 v0, v2  }
0xfc: {  	v2 =	vadd.f32 v12, v4;
	v1 =	vadd.f32 v1, v3  }
0xfd: {  	v3 =	vadd.f32 v7, v5;
	[tilespmem:$0x14B00] =	vst v0  }
0xfe: {  	v0 =	vadd.f32 v9, v2;
	[tilespmem:$0x14B10] =	vst v1  }
0xff: {  	[tilespmem:$0x14B20] =	vst v3  }
0x100: {  	[tilespmem:$0x14B30] =	vst v0  }
0x101: {  	_ =	swait.ge [sflag:s25], $0x3200  }
0x102: {  	[sflag:s25] =	ssyncset.done $0x0  }
0x103: {  	s0 =	simm.s32 $0x0;
	[sflag:s25] =	ssyncadd.s32 $0xFFFFCE00  }
0x104: {  	v0 =	vld [tilespmem:s0+$0x96C0]  }
0x105: {  	v1 =	vld [tilespmem:s0+$0x96D0]  }
0x106: {  	v2 =	vld [tilespmem:s0+$0x9680]  }
0x107: {  	v3 =	vld [tilespmem:s0+$0x9690]  }
0x108: {  	v4 =	vld [tilespmem:s0+$0x9640]  }
0x109: {  	v5 =	vld [tilespmem:s0+$0x9650]  }
0x10a: {  	v10 =	vld [tilespmem:s0+$0x9600]  }
0x10b: {  	v6 =	vimm.f32 $0.0e+00;
	v12 =	vld [tilespmem:s0+$0x9610]  }
0x10c: {  	s1 =	simm.s32 $0x400;
	v8 =	vimm.f32 $0.0e+00;
	v7 =	vimm.f32 $0.0e+00;
	v9 =	vimm.f32 $0.0e+00;
	v11 =	vld [tilespmem:s0+$0x9620]  }
.LBB2_14:
0x10d: {  	p0 =	sne.s32 s1, $0xC400;
	v13 =	vld [tilespmem:s0+$0x9630]  }
0x10e: {  	v14 =	vld [tilespmem:s0+$0x9660]  }
0x10f: {  	v15 =	vld [tilespmem:s0+$0x9670]  }
0x110: {  	v16 =	vld [tilespmem:s0+$0x96A0]  }
0x111: {  	v6 =	vadd.f32 v10, v6;
	v9 =	vadd.f32 v12, v9;
	v10 =	vld [tilespmem:s0+$0x96B0]  }
0x112: {  	v8 =	vadd.f32 v11, v8;
	v7 =	vadd.f32 v13, v7;
	v11 =	vld [tilespmem:s0+$0x96E0]  }
0x113: {  	v4 =	vadd.f32 v4, v6;
	v5 =	vadd.f32 v5, v9;
	v12 =	vld [tilespmem:s0+$0x96F0];
	s0 =	sshra.s32 s1, $0x2  }
0x114: {  	v6 =	vadd.f32 v14, v8;
	v13 =	vld [tilespmem:s0+$0x96C0];
	v7 =	vadd.f32 v15, v7  }
0x115: {  	v4 =	vadd.f32 v2, v4;
	v5 =	vadd.f32 v3, v5;
	v14 =	vld [tilespmem:s0+$0x96D0]  }
0x116: {  	v8 =	vadd.f32 v16, v6;
	v2 =	vld [tilespmem:s0+$0x9680];
	v7 =	vadd.f32 v10, v7  }
0x117: {  	v6 =	vadd.f32 v0, v4;
	v9 =	vadd.f32 v1, v5;
	v3 =	vld [tilespmem:s0+$0x9690]  }
.Ltmp6:
0x118: {  	v8 =	vadd.f32 v11, v8;
	v4 =	vld [tilespmem:s0+$0x9640];
	v7 =	vadd.f32 v12, v7;
	(pc) =	sbr.rel @p0 .LBB2_14-.Ltmp6, $4  }
0x119: {  	v5 =	vld [tilespmem:s0+$0x9650];
	v0 =	vmov v13  }
0x11a: {  	v10 =	vld [tilespmem:s0+$0x9600];
	v1 =	vmov v14  }
0x11b: {  	v12 =	vld [tilespmem:s0+$0x9610]  }
0x11c: {  	s1 =	sadd.s32 $0x400, s1;
	v11 =	vld [tilespmem:s0+$0x9620]  }
0x11d: {  	v13 =	vld [tilespmem:s0+$0x9630]  }
0x11e: {  	v14 =	vld [tilespmem:s0+$0x9660]  }
0x11f: {  	v15 =	vld [tilespmem:s0+$0x9670];
	v6 =	vadd.f32 v10, v6  }
0x120: {  	v10 =	vld [tilespmem:s0+$0x96A0];
	v9 =	vadd.f32 v12, v9  }
0x121: {  	v12 =	vld [tilespmem:s0+$0x96B0];
	v8 =	vadd.f32 v11, v8;
	v4 =	vadd.f32 v4, v6  }
0x122: {  	v6 =	vadd.f32 v13, v7;
	v7 =	vld [tilespmem:s0+$0x96E0];
	v5 =	vadd.f32 v5, v9  }
0x123: {  	v9 =	vld [tilespmem:s0+$0x96F0];
	v8 =	vadd.f32 v14, v8;
	v2 =	vadd.f32 v2, v4  }
0x124: {  	v4 =	vadd.f32 v15, v6;
	v3 =	vadd.f32 v3, v5  }
0x125: {  	v5 =	vadd.f32 v10, v8;
	v0 =	vadd.f32 v0, v2  }
0x126: {  	v2 =	vadd.f32 v12, v4;
	v1 =	vadd.f32 v1, v3  }
0x127: {  	v3 =	vadd.f32 v7, v5;
	[tilespmem:$0x14B40] =	vst v0  }
0x128: {  	v0 =	vadd.f32 v9, v2;
	[tilespmem:$0x14B50] =	vst v1  }
0x129: {  	[tilespmem:$0x14B60] =	vst v3  }
0x12a: {  	[tilespmem:$0x14B70] =	vst v0  }
0x12b: {  	_ =	swait.ge [sflag:s26], $0x3200  }
0x12c: {  	[sflag:s26] =	ssyncset.done $0x0  }
0x12d: {  	s0 =	simm.s32 $0x0;
	[sflag:s26] =	ssyncadd.s32 $0xFFFFCE00  }
0x12e: {  	v0 =	vld [tilespmem:s0+$0xC8C0]  }
0x12f: {  	v1 =	vld [tilespmem:s0+$0xC8D0]  }
0x130: {  	v2 =	vld [tilespmem:s0+$0xC880]  }
0x131: {  	v3 =	vld [tilespmem:s0+$0xC890]  }
0x132: {  	v4 =	vld [tilespmem:s0+$0xC840]  }
0x133: {  	v5 =	vld [tilespmem:s0+$0xC850]  }
0x134: {  	v10 =	vld [tilespmem:s0+$0xC800]  }
0x135: {  	v6 =	vimm.f32 $0.0e+00;
	v12 =	vld [tilespmem:s0+$0xC810]  }
0x136: {  	s1 =	simm.s32 $0x400;
	v8 =	vimm.f32 $0.0e+00;
	v7 =	vimm.f32 $0.0e+00;
	v9 =	vimm.f32 $0.0e+00;
	v11 =	vld [tilespmem:s0+$0xC820]  }
.LBB2_16:
0x137: {  	p0 =	sne.s32 s1, $0xC400;
	v13 =	vld [tilespmem:s0+$0xC830]  }
0x138: {  	v14 =	vld [tilespmem:s0+$0xC860]  }
0x139: {  	v15 =	vld [tilespmem:s0+$0xC870]  }
0x13a: {  	v16 =	vld [tilespmem:s0+$0xC8A0]  }
0x13b: {  	v6 =	vadd.f32 v10, v6;
	v9 =	vadd.f32 v12, v9;
	v10 =	vld [tilespmem:s0+$0xC8B0]  }
0x13c: {  	v8 =	vadd.f32 v11, v8;
	v7 =	vadd.f32 v13, v7;
	v11 =	vld [tilespmem:s0+$0xC8E0]  }
0x13d: {  	v4 =	vadd.f32 v4, v6;
	v5 =	vadd.f32 v5, v9;
	v12 =	vld [tilespmem:s0+$0xC8F0];
	s0 =	sshra.s32 s1, $0x2  }
0x13e: {  	v6 =	vadd.f32 v14, v8;
	v13 =	vld [tilespmem:s0+$0xC8C0];
	v7 =	vadd.f32 v15, v7  }
0x13f: {  	v4 =	vadd.f32 v2, v4;
	v5 =	vadd.f32 v3, v5;
	v14 =	vld [tilespmem:s0+$0xC8D0]  }
0x140: {  	v8 =	vadd.f32 v16, v6;
	v2 =	vld [tilespmem:s0+$0xC880];
	v7 =	vadd.f32 v10, v7  }
0x141: {  	v6 =	vadd.f32 v0, v4;
	v9 =	vadd.f32 v1, v5;
	v3 =	vld [tilespmem:s0+$0xC890]  }
.Ltmp7:
0x142: {  	v8 =	vadd.f32 v11, v8;
	v4 =	vld [tilespmem:s0+$0xC840];
	v7 =	vadd.f32 v12, v7;
	(pc) =	sbr.rel @p0 .LBB2_16-.Ltmp7, $4  }
0x143: {  	v5 =	vld [tilespmem:s0+$0xC850];
	v0 =	vmov v13  }
0x144: {  	v10 =	vld [tilespmem:s0+$0xC800];
	v1 =	vmov v14  }
0x145: {  	v12 =	vld [tilespmem:s0+$0xC810]  }
0x146: {  	s1 =	sadd.s32 $0x400, s1;
	v11 =	vld [tilespmem:s0+$0xC820]  }
0x147: {  	v13 =	vld [tilespmem:s0+$0xC830]  }
0x148: {  	v14 =	vld [tilespmem:s0+$0xC860]  }
0x149: {  	v15 =	vld [tilespmem:s0+$0xC870];
	v6 =	vadd.f32 v10, v6  }
0x14a: {  	v10 =	vld [tilespmem:s0+$0xC8A0];
	v9 =	vadd.f32 v12, v9  }
0x14b: {  	v12 =	vld [tilespmem:s0+$0xC8B0];
	v8 =	vadd.f32 v11, v8;
	v4 =	vadd.f32 v4, v6  }
0x14c: {  	v6 =	vadd.f32 v13, v7;
	v7 =	vld [tilespmem:s0+$0xC8E0];
	v5 =	vadd.f32 v5, v9  }
0x14d: {  	v9 =	vld [tilespmem:s0+$0xC8F0];
	v8 =	vadd.f32 v14, v8;
	v2 =	vadd.f32 v2, v4  }
0x14e: {  	v4 =	vadd.f32 v15, v6;
	v3 =	vadd.f32 v3, v5  }
0x14f: {  	v5 =	vadd.f32 v10, v8;
	v0 =	vadd.f32 v0, v2  }
0x150: {  	v2 =	vadd.f32 v12, v4;
	v1 =	vadd.f32 v1, v3  }
0x151: {  	v3 =	vadd.f32 v7, v5;
	[tilespmem:$0x14B80] =	vst v0  }
0x152: {  	v0 =	vadd.f32 v9, v2;
	[tilespmem:$0x14B90] =	vst v1  }
0x153: {  	[tilespmem:$0x14BA0] =	vst v3  }
0x154: {  	[tilespmem:$0x14BB0] =	vst v0  }
0x155: {  	_ =	swait.ge [sflag:s28], $0x3200  }
0x156: {  	[sflag:s28] =	ssyncset.done $0x0  }
0x157: {  	s0 =	simm.s32 $0x0;
	[sflag:s28] =	ssyncadd.s32 $0xFFFFCE00  }
0x158: {  	v0 =	vld [tilespmem:s0+$0xFAC0]  }
0x159: {  	v1 =	vld [tilespmem:s0+$0xFAD0]  }
0x15a: {  	v2 =	vld [tilespmem:s0+$0xFA80]  }
0x15b: {  	v3 =	vld [tilespmem:s0+$0xFA90]  }
0x15c: {  	v4 =	vld [tilespmem:s0+$0xFA40]  }
0x15d: {  	v5 =	vld [tilespmem:s0+$0xFA50]  }
0x15e: {  	v10 =	vld [tilespmem:s0+$0xFA00]  }
0x15f: {  	v6 =	vimm.f32 $0.0e+00;
	v12 =	vld [tilespmem:s0+$0xFA10]  }
0x160: {  	s1 =	simm.s32 $0x400;
	v8 =	vimm.f32 $0.0e+00;
	v7 =	vimm.f32 $0.0e+00;
	v9 =	vimm.f32 $0.0e+00;
	v11 =	vld [tilespmem:s0+$0xFA20]  }
.LBB2_18:
0x161: {  	p0 =	sne.s32 s1, $0xC400;
	v13 =	vld [tilespmem:s0+$0xFA30]  }
0x162: {  	v14 =	vld [tilespmem:s0+$0xFA60]  }
0x163: {  	v15 =	vld [tilespmem:s0+$0xFA70]  }
0x164: {  	v16 =	vld [tilespmem:s0+$0xFAA0]  }
0x165: {  	v6 =	vadd.f32 v10, v6;
	v9 =	vadd.f32 v12, v9;
	v10 =	vld [tilespmem:s0+$0xFAB0]  }
0x166: {  	v8 =	vadd.f32 v11, v8;
	v7 =	vadd.f32 v13, v7;
	v11 =	vld [tilespmem:s0+$0xFAE0]  }
0x167: {  	v4 =	vadd.f32 v4, v6;
	v5 =	vadd.f32 v5, v9;
	v12 =	vld [tilespmem:s0+$0xFAF0];
	s0 =	sshra.s32 s1, $0x2  }
0x168: {  	v6 =	vadd.f32 v14, v8;
	v13 =	vld [tilespmem:s0+$0xFAC0];
	v7 =	vadd.f32 v15, v7  }
0x169: {  	v4 =	vadd.f32 v2, v4;
	v5 =	vadd.f32 v3, v5;
	v14 =	vld [tilespmem:s0+$0xFAD0]  }
0x16a: {  	v8 =	vadd.f32 v16, v6;
	v2 =	vld [tilespmem:s0+$0xFA80];
	v7 =	vadd.f32 v10, v7  }
0x16b: {  	v6 =	vadd.f32 v0, v4;
	v9 =	vadd.f32 v1, v5;
	v3 =	vld [tilespmem:s0+$0xFA90]  }
.Ltmp8:
0x16c: {  	v8 =	vadd.f32 v11, v8;
	v4 =	vld [tilespmem:s0+$0xFA40];
	v7 =	vadd.f32 v12, v7;
	(pc) =	sbr.rel @p0 .LBB2_18-.Ltmp8, $4  }
0x16d: {  	v5 =	vld [tilespmem:s0+$0xFA50];
	v0 =	vmov v13  }
0x16e: {  	v10 =	vld [tilespmem:s0+$0xFA00];
	v1 =	vmov v14  }
0x16f: {  	v12 =	vld [tilespmem:s0+$0xFA10]  }
0x170: {  	s1 =	sadd.s32 $0x400, s1;
	v11 =	vld [tilespmem:s0+$0xFA20]  }
0x171: {  	v13 =	vld [tilespmem:s0+$0xFA30]  }
0x172: {  	v14 =	vld [tilespmem:s0+$0xFA60]  }
0x173: {  	v15 =	vld [tilespmem:s0+$0xFA70];
	v6 =	vadd.f32 v10, v6  }
0x174: {  	v54 =	vld [tilespmem:s0+$0xFAA0];
	v9 =	vadd.f32 v12, v9  }
0x175: {  	v55 =	vld [tilespmem:s0+$0xFAB0];
	v8 =	vadd.f32 v11, v8;
	v4 =	vadd.f32 v4, v6  }
0x176: {  	v57 =	vld [tilespmem:s0+$0xFAE0];
	v56 =	vadd.f32 v13, v7;
	v5 =	vadd.f32 v5, v9  }
0x177: {  	v58 =	vld [tilespmem:s0+$0xFAF0];
	v8 =	vadd.f32 v14, v8;
	v2 =	vadd.f32 v2, v4  }
0x178: {  	v59 =	vadd.f32 v15, v56;
	v3 =	vadd.f32 v3, v5  }
0x179: {  	v60 =	vadd.f32 v54, v8;
	v0 =	vadd.f32 v0, v2  }
0x17a: {  	v61 =	vadd.f32 v55, v59;
	v1 =	vadd.f32 v1, v3  }
0x17b: {  	v62 =	vadd.f32 v57, v60;
	[tilespmem:$0x14BC0] =	vst v0  }
0x17c: {  	s30 =	sadd.s32 $0x1, s30;
	v63 =	vadd.f32 v58, v61;
	[tilespmem:$0x14BD0] =	vst v1  }
0x17d: {  	p0 =	sne.s32 s30, s6;
	[tilespmem:$0x14BE0] =	vst v62  }
.Ltmp9:
0x17e: {  	[tilespmem:$0x14BF0] =	vst v63;
	(pc) =	sbr.rel @p0 .LBB2_1-.Ltmp9, $4  }
0x17f: {  	[hbm4b:s5+s2] =	stream.linear.scatter [tilespmem:s29], [sflag:$0x5], $0x2000, $0x38;
	[tilespmem:$0x14C00] =	vst v63  }
0x180: {  	_ =	swait.ge [sflag:s7], $0x2000  }
0x181: {  	[sflag:s7] =	ssyncset.done $0x0  }
0x182: {  	[sflag:s7] =	ssyncadd.s32 $0xFFFFE000  }
0x183: {  	_ =	sfence.sel $0x180000  }
0x184: {  	[bflag:$0x0] =	sbarrier.arrive $0xFFFF  }
0x185: {  	_ =	strace $0x90000047  }
0x186: {  	s0 =	stileid.u32;
	[bflag:$0x2] =	sbarrier.arrive $0xFFFF  }
0x187: {  	p0 =	sne.s32 s0, $0x0;
	s0 =	rddreg [dreg:$0x2]  }
0x188: {  	s0 =	sadd.s32 @!p0 $0x100000, s0  }
0x189: {  	[sflag:s0] =	ssyncadd.tile.s32 @!p0 $0x1;
	_ =	shalt  }
.Lfunc_end2:
_tile_overlayer_lowered:
.L_overlay_start_2:
0x18a: {  	(tag) =	ssettag $0x2  }
0x18b: {  	s0 =	rddreg [dreg:$0x0];
	s2 =	stileid.u32  }
0x18c: {  	s1 =	rddreg [dreg:$0x1];
	p0 =	sne.s32 s2, $0x0  }
0x18d: {  	s3 =	rddreg [dreg:$0x2];
	[bflag:$0x3] =	sbarrier.arrive $0xFFFF;
	s2 =	simm.s32 @!p0 $0x1C05  }
0x18e: {  	[timem:s3], [sflag:s2] =	dma.local @!p0 [hbm:s0], s1  }
0x18f: {  	s0 =	simm.s32 @!p0 $0x5  }
0x190: {  	_ =	swait.ge @!p0 [sflag:s0], s1  }
0x191: {  	s1 =	ssub.s32 @!p0 $0x0, s1;
	[sflag:s0] =	ssyncset.done @!p0 $0x0  }
0x192: {  	[sflag:s0] =	ssyncadd.s32 @!p0 s1  }
0x193: {  	[bflag:$0x3] =	sbarrier.arrive $0xFFFF  }
0x194: {  	_ =	shalt  }

</sc_bundles>
